<compile_context>
chip_gen: v7x
topology: tpu7x:2x2x1
jax: 0.10.2.dev20260603
libtpu: 0.0.44.dev20260713+nightly
codegen_flags: <defaults>
</compile_context>

<pallas_src>
import jax
import jax.numpy as jnp
from jax import lax
from jax.experimental import pallas as pl
from jax.experimental.pallas import tpu as pltpu
from jax.experimental.pallas import tpu_sc as plsc

N = 100000
C = 128
L = 4 * N - 6
FLAT = L * C
TOT = N * C
NCORE = 2
NSUB = 16
NW = NCORE * NSUB
WPT = 1599984
WLAST = FLAT - 31 * WPT
WSIZE = 48000
NWIN = 33
TAIL = WPT - NWIN * WSIZE
TAIL31 = WLAST - NWIN * WSIZE
ESIZE = 16384


def _vsel(v, idxs):
    return jnp.take_along_axis(v, idxs, axis=0, mode="promise_in_bounds")


def _popcount(mask):
    r = plsc.all_reduce_population_count(mask)
    return jnp.max(r) if getattr(r, "ndim", 0) else r


def _body(skey_hbm, sval_hbm, starts_hbm, y_hbm,
          sb0, sb1, kabuf, xabuf, svec, sem0, sem1):
    sbufs = (sb0, sb1)
    sems = (sem0, sem1)
    cid = lax.axis_index("c")
    sid = lax.axis_index("s")
    wid = sid * NCORE + cid
    iota16 = lax.iota(jnp.int32, 16)
    zeros16 = jnp.zeros((16,), jnp.float32)

    pltpu.sync_copy(starts_hbm.at[wid], svec)
    es = jnp.min(svec[...])
    g0 = es - lax.bitwise_and(es, 15)
    tile_w0 = wid * WPT

    def consume_window(g_init, w0s, w1s, sb, wsize):

        def refill_cond(st):
            return jnp.logical_not(st[1])

        def refill_body(st):
            g_, _ = st
            gb = jnp.minimum(g_, TOT - ESIZE)
            gba = pl.multiple_of(gb, 16)
            pltpu.sync_copy(skey_hbm.at[pl.ds(gba, ESIZE)], kabuf)
            pltpu.sync_copy(sval_hbm.at[pl.ds(gba, ESIZE)], xabuf)

            def cond(st2):
                return st2[2]

            def body(st2):
                g2, _, _ = st2
                off = g2 - gb
                kv = kabuf[pl.ds(off, 16)]
                cur = xabuf[pl.ds(off, 16)]
                for d in (1, 2, 4, 8):
                    idxs = jnp.minimum(iota16 + d, 15)
                    kd = _vsel(kv, idxs)
                    xd = _vsel(cur, idxs)
                    cur = jnp.where(kv == kd, xd, cur)
                m = jnp.logical_and(kv >= w0s, kv < w1s)
                sidx = jnp.clip(kv - w0s, 0, wsize - 1)
                plsc.store_scatter(sb, [sidx], cur, mask=m)
                nlt = _popcount(kv < w1s)
                full = nlt == 16
                g3 = jnp.where(full, g2 + 16, g2)
                done2 = jnp.logical_or(jnp.logical_not(full), g3 >= TOT)
                cont2 = jnp.logical_and(
                    jnp.logical_not(done2), g3 - gb + 16 <= ESIZE)
                return (g3, done2, cont2)

            g4, done4, _ = lax.while_loop(cond, body, (g_, False, True))
            return (g4, done4)

        g_out, _ = lax.while_loop(refill_cond, refill_body, (g_init, False))
        return g_out

    def zero_buf(sb, nwords):
        def z(i, carry):
            sb[pl.ds(i * 16, 16)] = zeros16
            return carry
        lax.fori_loop(0, nwords // 16, z, 0, unroll=8)

    def do_window(win, g, b, wsize, first_round):
        sb, sem = sbufs[b], sems[b]
        w0 = tile_w0 + win * WSIZE
        if not first_round:
            pltpu.make_async_copy(
                sb.at[pl.ds(0, WSIZE)],
                y_hbm.at[pl.ds(pl.multiple_of(w0 - 2 * WSIZE, 16), WSIZE)],
                sem).wait()
        zero_buf(sb, WSIZE)
        g = consume_window(g, w0, w0 + wsize, sb, wsize)
        pltpu.async_copy(
            sb.at[pl.ds(0, wsize)],
            y_hbm.at[pl.ds(pl.multiple_of(w0, 16), wsize)], sem)
        return g

    def round0(g):
        g = do_window(0, g, 0, WSIZE, True)
        g = do_window(1, g, 1, WSIZE, True)
        return g

    def roundN(s, g):
        g = do_window(s * 2, g, 0, WSIZE, False)
        g = do_window(s * 2 + 1, g, 1, WSIZE, False)
        return g

    g = round0(g0)
    g = lax.fori_loop(1, 16, roundN, g)
    g = do_window(32, g, 0, WSIZE, False)

    w0t = tile_w0 + NWIN * WSIZE

    @pl.when(wid != NW - 1)
    def _():
        pltpu.make_async_copy(
            sb1.at[pl.ds(0, WSIZE)],
            y_hbm.at[pl.ds(pl.multiple_of(w0t - 2 * WSIZE, 16), WSIZE)],
            sem1).wait()
        zero_buf(sb1, TAIL)
        consume_window(g, w0t, w0t + TAIL, sb1, TAIL)
        pltpu.async_copy(
            sb1.at[pl.ds(0, TAIL)],
            y_hbm.at[pl.ds(pl.multiple_of(w0t, 16), TAIL)], sem1)
        pltpu.make_async_copy(
            sb1.at[pl.ds(0, TAIL)],
            y_hbm.at[pl.ds(pl.multiple_of(w0t, 16), TAIL)], sem1).wait()

    @pl.when(wid == NW - 1)
    def _():
        pltpu.make_async_copy(
            sb1.at[pl.ds(0, WSIZE)],
            y_hbm.at[pl.ds(pl.multiple_of(w0t - 2 * WSIZE, 16), WSIZE)],
            sem1).wait()
        zero_buf(sb1, TAIL31)
        consume_window(g, w0t, w0t + TAIL31, sb1, TAIL31)
        pltpu.async_copy(
            sb1.at[pl.ds(0, TAIL31)],
            y_hbm.at[pl.ds(pl.multiple_of(w0t, 16), TAIL31)], sem1)
        pltpu.make_async_copy(
            sb1.at[pl.ds(0, TAIL31)],
            y_hbm.at[pl.ds(pl.multiple_of(w0t, 16), TAIL31)], sem1).wait()

    pltpu.make_async_copy(
        sb0.at[pl.ds(0, WSIZE)],
        y_hbm.at[pl.ds(pl.multiple_of(tile_w0 + 32 * WSIZE, 16), WSIZE)],
        sem0).wait()


_scatter = pl.kernel(
    _body,
    out_type=jax.ShapeDtypeStruct((FLAT,), jnp.float32),
    mesh=plsc.VectorSubcoreMesh(core_axis_name="c", subcore_axis_name="s"),
    compiler_params=pltpu.CompilerParams(needs_layout_passes=False),
    scratch_types=(
        [pltpu.VMEM((WSIZE,), jnp.float32) for _ in range(2)]
        + [pltpu.VMEM((ESIZE,), jnp.int32), pltpu.VMEM((ESIZE,), jnp.float32)]
        + [pltpu.VMEM((16,), jnp.int32)]
        + [pltpu.SemaphoreType.DMA for _ in range(2)]
    ),
)


@jax.jit
def kernel(x, indices):
    idx32 = indices.astype(jnp.int32)
    keys = (idx32 * C + jnp.arange(C, dtype=jnp.int32)[None, :]).reshape(-1)
    skey, sval = lax.sort_key_val(keys, x.reshape(-1), is_stable=False)
    bounds = jnp.arange(NW, dtype=jnp.int32) * WPT
    starts = jnp.searchsorted(skey, bounds).astype(jnp.int32)
    starts_arr = jnp.broadcast_to(starts[:, None], (NW, 16))
    y = _scatter(skey, sval, starts_arr)
    return y.reshape(L, C)

# --- scband reference (transcript-rebuilt; emitter-appended) ---
"""Pipeline reference for scband-hex-unpooling-19524921328228 (READ-ONLY COPY).

The authoritative reference and input builder live on the scoring server;
editing this copy changes nothing except your own understanding.
"""

import jax, jax.numpy as jnp
import numpy as np

N = 100000
C = 128
L = 4 * N - 6

def setup_inputs(seed: int = 0) -> dict:
    key = jax.random.key(seed)
    k1, k2 = jax.random.split(key)
    x = jax.random.normal(k1, (N, C), dtype=jnp.float32)
    indices = jax.random.randint(k2, (N, C), 0, L, dtype=jnp.int64)
    return {"x": x, "indices": indices}

def reference(x, indices):
    n, c = x.shape
    # other_indices = arange(C) repeated for each row, matching torch code
    other_indices = jnp.broadcast_to(jnp.arange(c), (n, c))
    Lout = 4 * n - 6
    y = jnp.zeros((Lout, c), dtype=x.dtype)
    # scatter-overwrite: y[indices, other_indices] = x
    y = y.at[indices, other_indices].set(x)
    return y

if __name__ == "__main__":
    import jax
    _d = setup_inputs()
    print(jax.jit(kernel)(*tuple(_d.values())))

</pallas_src>

<mosaic_0001>
#map = affine_map<(d0, d1) -> (0)>
#map1 = affine_map<(d0, d1) -> (0, 0)>
module attributes {stable_mosaic.version = 14 : i64} {
  func.func @_body(%arg0: i32, %arg1: i32, %arg2: memref<12800000xi32, #tpu.memory_space<hbm>>, %arg3: memref<12800000xf32, #tpu.memory_space<hbm>>, %arg4: memref<32x16xi32, #tpu.memory_space<hbm>>, %arg5: memref<51199232xf32, #tpu.memory_space<hbm>>, %arg6: memref<48000xf32, #tpu.memory_space<vmem>>, %arg7: memref<48000xf32, #tpu.memory_space<vmem>>, %arg8: memref<16384xi32, #tpu.memory_space<vmem>>, %arg9: memref<16384xf32, #tpu.memory_space<vmem>>, %arg10: memref<16xi32, #tpu.memory_space<vmem>>, %arg11: memref<!tpu.dma_semaphore, #tpu.memory_space<semaphore_mem>>, %arg12: memref<!tpu.dma_semaphore, #tpu.memory_space<semaphore_mem>>) attributes {dimension_semantics = [#tpu.dimension_semantics<core_parallel>, #tpu.dimension_semantics<subcore_parallel>], iteration_bounds = array<i64: 2, 16>, scalar_prefetch = 0 : i64, scratch_operands = 7 : i64, tpu.core_type = #tpu.core_type<sc_vector_subcore>, window_params = [{transform_indices = #map}, {transform_indices = #map}, {transform_indices = #map1}, {transform_indices = #map}]} {
    %mul3A = arith.constant 2 : i32
    %mul3A_0 = arith.muli %arg1, %mul3A : i32
    %add3A = arith.addi %mul3A_0, %arg0 : i32
    %iota3A = tpu.iota {dimensions = array<i32: 0>} : vector<16xi32>
    %broadcast_in_dim3A = arith.constant 0.000000e+00 : f32
    %broadcast_in_dim3A_1 = vector.broadcast %broadcast_in_dim3A : f32 to vector<16xf32>
    "tpu.region"() ({
      %run_scoped3A = tpu.sem_alloc : memref<!tpu.dma_semaphore, #tpu.memory_space<semaphore_mem>>
      %dma_start3A_97 = arith.constant 0 : i32
      %dma_start3A_98 = tpu.memref_slice %arg4[%add3A, %dma_start3A_97] : memref<32x16xi32, #tpu.memory_space<hbm>> -> memref<1x16xi32, #tpu.memory_space<hbm>>
      %dma_start3A_99 = tpu.memref_squeeze %dma_start3A_98 : memref<1x16xi32, #tpu.memory_space<hbm>> -> memref<16xi32, #tpu.memory_space<hbm>>
      %dma_start3A_100 = arith.constant 0 : i32
      %dma_start3A_101 = tpu.memref_slice %arg4[%add3A, %dma_start3A_100] : memref<32x16xi32, #tpu.memory_space<hbm>> -> memref<1x16xi32, #tpu.memory_space<hbm>>
      %dma_start3A_102 = tpu.memref_squeeze %dma_start3A_101 : memref<1x16xi32, #tpu.memory_space<hbm>> -> memref<16xi32, #tpu.memory_space<hbm>>
      tpu.enqueue_dma source(%dma_start3A_102 : memref<16xi32, #tpu.memory_space<hbm>>) target(%arg10 : memref<16xi32, #tpu.memory_space<vmem>>) target_semaphore(%run_scoped3A : memref<!tpu.dma_semaphore, #tpu.memory_space<semaphore_mem>>)
      %dma_wait3A_103 = arith.constant 0 : i32
      %dma_wait3A_104 = tpu.memref_slice %arg4[%add3A, %dma_wait3A_103] : memref<32x16xi32, #tpu.memory_space<hbm>> -> memref<1x16xi32, #tpu.memory_space<hbm>>
      %dma_wait3A_105 = tpu.memref_squeeze %dma_wait3A_104 : memref<1x16xi32, #tpu.memory_space<hbm>> -> memref<16xi32, #tpu.memory_space<hbm>>
      %dma_wait3A_106 = arith.constant 0 : i32
      %dma_wait3A_107 = tpu.memref_slice %arg4[%add3A, %dma_wait3A_106] : memref<32x16xi32, #tpu.memory_space<hbm>> -> memref<1x16xi32, #tpu.memory_space<hbm>>
      %dma_wait3A_108 = tpu.memref_squeeze %dma_wait3A_107 : memref<1x16xi32, #tpu.memory_space<hbm>> -> memref<16xi32, #tpu.memory_space<hbm>>
      tpu.wait_dma2 semaphore(%run_scoped3A : memref<!tpu.dma_semaphore, #tpu.memory_space<semaphore_mem>>) src(%dma_wait3A_108 : memref<16xi32, #tpu.memory_space<hbm>>) dst(%arg10 : memref<16xi32, #tpu.memory_space<vmem>>)
      tpu.yield
    }) : () -> ()
    %get3A = arith.constant 0 : index
    %get3A_2 = tpu.vector_load %arg10[%get3A] {strides = array<i32>} : memref<16xi32, #tpu.memory_space<vmem>>, vector<16xi32>,
    %reduce_min3A = arith.constant true
    %reduce_min3A_3 = vector.broadcast %reduce_min3A : i1 to vector<16xi1>
    %reduce_min3A_4 = arith.constant -2147483648 : i32
    %reduce_min3A_5 = vector.broadcast %reduce_min3A_4 : i32 to vector<16xi32>
    %reduce_min3A_6 = arith.xori %get3A_2, %reduce_min3A_5 : vector<16xi32>
    %reduce_min3A_7 = tpu.scan <min>, %reduce_min3A_6 masked %reduce_min3A_3 : vector<16xi32>, vector<16xi1> -> vector<16xi32>
    %reduce_min3A_8 = arith.xori %reduce_min3A_7, %reduce_min3A_5 : vector<16xi32>
    %reduce_min3A_9 = vector.extract %reduce_min3A_8[15] : i32 from vector<16xi32>
    %and3A = arith.constant 15 : i32
    %and3A_10 = arith.andi %reduce_min3A_9, %and3A : i32
    %sub3A = arith.subi %reduce_min3A_9, %and3A_10 : i32
    %mul3A_11 = arith.constant 1599984 : i32
    %mul3A_12 = arith.muli %add3A, %mul3A_11 : i32
    %add3A_13 = arith.constant 0 : i32
    %add3A_14 = arith.addi %mul3A_12, %add3A_13 : i32
    %scan3A = arith.constant 0 : i32
    %scan3A_15 = arith.constant 0 : i32
    %scan3A_16 = arith.constant 3000 : i32
    %scan3A_17 = arith.addi %scan3A_15, %scan3A_16 : i32
    %scan3A_18 = arith.constant 8 : i32
    scf.for %scan3A_97 = %scan3A_15 to %scan3A_17 step %scan3A_18  : i32 {
      %mul3A_98 = arith.constant 16 : i32
      %mul3A_99 = arith.muli %scan3A_97, %mul3A_98 : i32
      %swap3A = arith.index_cast %mul3A_99 : i32 to index
      %swap3A_100 = tpu.vector_load %arg6[%swap3A] {strides = array<i32>} : memref<48000xf32, #tpu.memory_space<vmem>>, vector<16xf32>,
      tpu.vector_store %arg6[%swap3A], %broadcast_in_dim3A_1 {strides = array<i32>} : memref<48000xf32, #tpu.memory_space<vmem>>, vector<16xf32>,
      %scan3A_101 = arith.constant 1 : i32
      %scan3A_102 = arith.addi %scan3A_97, %scan3A_101 : i32
      %mul3A_103 = arith.constant 16 : i32
      %mul3A_104 = arith.muli %scan3A_102, %mul3A_103 : i32
      %swap3A_105 = arith.index_cast %mul3A_104 : i32 to index
      %swap3A_106 = tpu.vector_load %arg6[%swap3A_105] {strides = array<i32>} : memref<48000xf32, #tpu.memory_space<vmem>>, vector<16xf32>,
      tpu.vector_store %arg6[%swap3A_105], %broadcast_in_dim3A_1 {strides = array<i32>} : memref<48000xf32, #tpu.memory_space<vmem>>, vector<16xf32>,
      %scan3A_107 = arith.constant 2 : i32
      %scan3A_108 = arith.addi %scan3A_97, %scan3A_107 : i32
      %mul3A_109 = arith.constant 16 : i32
      %mul3A_110 = arith.muli %scan3A_108, %mul3A_109 : i32
      %swap3A_111 = arith.index_cast %mul3A_110 : i32 to index
      %swap3A_112 = tpu.vector_load %arg6[%swap3A_111] {strides = array<i32>} : memref<48000xf32, #tpu.memory_space<vmem>>, vector<16xf32>,
      tpu.vector_store %arg6[%swap3A_111], %broadcast_in_dim3A_1 {strides = array<i32>} : memref<48000xf32, #tpu.memory_space<vmem>>, vector<16xf32>,
      %scan3A_113 = arith.constant 3 : i32
      %scan3A_114 = arith.addi %scan3A_97, %scan3A_113 : i32
      %mul3A_115 = arith.constant 16 : i32
      %mul3A_116 = arith.muli %scan3A_114, %mul3A_115 : i32
      %swap3A_117 = arith.index_cast %mul3A_116 : i32 to index
      %swap3A_118 = tpu.vector_load %arg6[%swap3A_117] {strides = array<i32>} : memref<48000xf32, #tpu.memory_space<vmem>>, vector<16xf32>,
      tpu.vector_store %arg6[%swap3A_117], %broadcast_in_dim3A_1 {strides = array<i32>} : memref<48000xf32, #tpu.memory_space<vmem>>, vector<16xf32>,
      %scan3A_119 = arith.constant 4 : i32
      %scan3A_120 = arith.addi %scan3A_97, %scan3A_119 : i32
      %mul3A_121 = arith.constant 16 : i32
      %mul3A_122 = arith.muli %scan3A_120, %mul3A_121 : i32
      %swap3A_123 = arith.index_cast %mul3A_122 : i32 to index
      %swap3A_124 = tpu.vector_load %arg6[%swap3A_123] {strides = array<i32>} : memref<48000xf32, #tpu.memory_space<vmem>>, vector<16xf32>,
      tpu.vector_store %arg6[%swap3A_123], %broadcast_in_dim3A_1 {strides = array<i32>} : memref<48000xf32, #tpu.memory_space<vmem>>, vector<16xf32>,
      %scan3A_125 = arith.constant 5 : i32
      %scan3A_126 = arith.addi %scan3A_97, %scan3A_125 : i32
      %mul3A_127 = arith.constant 16 : i32
      %mul3A_128 = arith.muli %scan3A_126, %mul3A_127 : i32
      %swap3A_129 = arith.index_cast %mul3A_128 : i32 to index
      %swap3A_130 = tpu.vector_load %arg6[%swap3A_129] {strides = array<i32>} : memref<48000xf32, #tpu.memory_space<vmem>>, vector<16xf32>,
      tpu.vector_store %arg6[%swap3A_129], %broadcast_in_dim3A_1 {strides = array<i32>} : memref<48000xf32, #tpu.memory_space<vmem>>, vector<16xf32>,
      %scan3A_131 = arith.constant 6 : i32
      %scan3A_132 = arith.addi %scan3A_97, %scan3A_131 : i32
      %mul3A_133 = arith.constant 16 : i32
      %mul3A_134 = arith.muli %scan3A_132, %mul3A_133 : i32
      %swap3A_135 = arith.index_cast %mul3A_134 : i32 to index
      %swap3A_136 = tpu.vector_load %arg6[%swap3A_135] {strides = array<i32>} : memref<48000xf32, #tpu.memory_space<vmem>>, vector<16xf32>,
      tpu.vector_store %arg6[%swap3A_135], %broadcast_in_dim3A_1 {strides = array<i32>} : memref<48000xf32, #tpu.memory_space<vmem>>, vector<16xf32>,
      %scan3A_137 = arith.constant 7 : i32
      %scan3A_138 = arith.addi %scan3A_97, %scan3A_137 : i32
      %mul3A_139 = arith.constant 16 : i32
      %mul3A_140 = arith.muli %scan3A_138, %mul3A_139 : i32
      %swap3A_141 = arith.index_cast %mul3A_140 : i32 to index
      %swap3A_142 = tpu.vector_load %arg6[%swap3A_141] {strides = array<i32>} : memref<48000xf32, #tpu.memory_space<vmem>>, vector<16xf32>,
      tpu.vector_store %arg6[%swap3A_141], %broadcast_in_dim3A_1 {strides = array<i32>} : memref<48000xf32, #tpu.memory_space<vmem>>, vector<16xf32>,
    }
    %scan3A_19 = arith.constant 3000 : i32
    %add3A_20 = arith.constant 48000 : i32
    %add3A_21 = arith.addi %add3A_14, %add3A_20 : i32
    %while3A = arith.constant false
    %while3A_22:2 = scf.while (%while3A_97 = %sub3A, %while3A_98 = %while3A) : (i32, i1) -> (i32, i1) {
      %not3A = arith.constant true
      %not3A_99 = arith.xori %while3A_98, %not3A : i1
      scf.condition(%not3A_99) %while3A_97, %while3A_98 : i32, i1
    } do {
    ^bb0(%while3A_97: i32, %while3A_98: i1):
      %min3A = arith.constant 12783616 : i32
      %min3A_99 = arith.minsi %while3A_97, %min3A : i32
      %multiple_of3A_100 = tpu.assume_multiple %min3A_99, 16 : i32
      "tpu.region"() ({
        %run_scoped3A = tpu.sem_alloc : memref<!tpu.dma_semaphore, #tpu.memory_space<semaphore_mem>>
        %dma_start3A_104 = tpu.memref_slice %arg2[%multiple_of3A_100] : memref<12800000xi32, #tpu.memory_space<hbm>> -> memref<16384xi32, #tpu.memory_space<hbm>>
        %dma_start3A_105 = tpu.memref_slice %arg2[%multiple_of3A_100] : memref<12800000xi32, #tpu.memory_space<hbm>> -> memref<16384xi32, #tpu.memory_space<hbm>>
        tpu.enqueue_dma source(%dma_start3A_105 : memref<16384xi32, #tpu.memory_space<hbm>>) target(%arg8 : memref<16384xi32, #tpu.memory_space<vmem>>) target_semaphore(%run_scoped3A : memref<!tpu.dma_semaphore, #tpu.memory_space<semaphore_mem>>)
        %dma_wait3A_106 = tpu.memref_slice %arg2[%multiple_of3A_100] : memref<12800000xi32, #tpu.memory_space<hbm>> -> memref<16384xi32, #tpu.memory_space<hbm>>
        %dma_wait3A_107 = tpu.memref_slice %arg2[%multiple_of3A_100] : memref<12800000xi32, #tpu.memory_space<hbm>> -> memref<16384xi32, #tpu.memory_space<hbm>>
        tpu.wait_dma2 semaphore(%run_scoped3A : memref<!tpu.dma_semaphore, #tpu.memory_space<semaphore_mem>>) src(%dma_wait3A_107 : memref<16384xi32, #tpu.memory_space<hbm>>) dst(%arg8 : memref<16384xi32, #tpu.memory_space<vmem>>)
        tpu.yield
      }) : () -> ()
      "tpu.region"() ({
        %run_scoped3A = tpu.sem_alloc : memref<!tpu.dma_semaphore, #tpu.memory_space<semaphore_mem>>
        %dma_start3A_104 = tpu.memref_slice %arg3[%multiple_of3A_100] : memref<12800000xf32, #tpu.memory_space<hbm>> -> memref<16384xf32, #tpu.memory_space<hbm>>
        %dma_start3A_105 = tpu.memref_slice %arg3[%multiple_of3A_100] : memref<12800000xf32, #tpu.memory_space<hbm>> -> memref<16384xf32, #tpu.memory_space<hbm>>
        tpu.enqueue_dma source(%dma_start3A_105 : memref<16384xf32, #tpu.memory_space<hbm>>) target(%arg9 : memref<16384xf32, #tpu.memory_space<vmem>>) target_semaphore(%run_scoped3A : memref<!tpu.dma_semaphore, #tpu.memory_space<semaphore_mem>>)
        %dma_wait3A_106 = tpu.memref_slice %arg3[%multiple_of3A_100] : memref<12800000xf32, #tpu.memory_space<hbm>> -> memref<16384xf32, #tpu.memory_space<hbm>>
        %dma_wait3A_107 = tpu.memref_slice %arg3[%multiple_of3A_100] : memref<12800000xf32, #tpu.memory_space<hbm>> -> memref<16384xf32, #tpu.memory_space<hbm>>
        tpu.wait_dma2 semaphore(%run_scoped3A : memref<!tpu.dma_semaphore, #tpu.memory_space<semaphore_mem>>) src(%dma_wait3A_107 : memref<16384xf32, #tpu.memory_space<hbm>>) dst(%arg9 : memref<16384xf32, #tpu.memory_space<vmem>>)
        tpu.yield
      }) : () -> ()
      %while3A_101 = arith.constant false
      %while3A_102 = arith.constant true
      %while3A_103:3 = scf.while (%while3A_104 = %while3A_97, %while3A_105 = %while3A_101, %while3A_106 = %while3A_102) : (i32, i1, i1) -> (i32, i1, i1) {
        scf.condition(%while3A_106) %while3A_104, %while3A_105, %while3A_106 : i32, i1, i1
      } do {
      ^bb0(%while3A_104: i32, %while3A_105: i1, %while3A_106: i1):
        %sub3A_107 = arith.subi %while3A_104, %min3A_99 : i32
        %get3A_108 = arith.index_cast %sub3A_107 : i32 to index
        %get3A_109 = tpu.vector_load %arg8[%get3A_108] {strides = array<i32>} : memref<16384xi32, #tpu.memory_space<vmem>>, vector<16xi32>,
        %get3A_110 = arith.index_cast %sub3A_107 : i32 to index
        %get3A_111 = tpu.vector_load %arg9[%get3A_110] {strides = array<i32>} : memref<16384xf32, #tpu.memory_space<vmem>>, vector<16xf32>,
        %add3A_112 = arith.constant 1 : i32
        %add3A_113 = vector.broadcast %add3A_112 : i32 to vector<16xi32>
        %add3A_114 = arith.addi %iota3A, %add3A_113 : vector<16xi32>
        %min3A_115 = arith.constant 15 : i32
        %min3A_116 = vector.broadcast %min3A_115 : i32 to vector<16xi32>
        %min3A_117 = arith.minsi %add3A_114, %min3A_116 : vector<16xi32>
        %reshape3A = vector.shape_cast %min3A_117 : vector<16xi32> to vector<16x1xi32>
        %gather3A = vector.shape_cast %reshape3A : vector<16x1xi32> to vector<16xi32>
        %gather3A_118 = tpu.dynamic_gather %get3A_109[%gather3A] in [0] : vector<16xi32>, vector<16xi32> -> vector<16xi32>
        %reshape3A_119 = vector.shape_cast %min3A_117 : vector<16xi32> to vector<16x1xi32>
        %gather3A_120 = vector.shape_cast %reshape3A_119 : vector<16x1xi32> to vector<16xi32>
        %gather3A_121 = tpu.dynamic_gather %get3A_111[%gather3A_120] in [0] : vector<16xf32>, vector<16xi32> -> vector<16xf32>
        %eq3A_122 = arith.cmpi eq, %get3A_109, %gather3A_118 : vector<16xi32>
        %select_n3A = arith.select %eq3A_122, %gather3A_121, %get3A_111 : vector<16xi1>, vector<16xf32>
        %add3A_123 = arith.constant 2 : i32
        %add3A_124 = vector.broadcast %add3A_123 : i32 to vector<16xi32>
        %add3A_125 = arith.addi %iota3A, %add3A_124 : vector<16xi32>
        %min3A_126 = arith.constant 15 : i32
        %min3A_127 = vector.broadcast %min3A_126 : i32 to vector<16xi32>
        %min3A_128 = arith.minsi %add3A_125, %min3A_127 : vector<16xi32>
        %reshape3A_129 = vector.shape_cast %min3A_128 : vector<16xi32> to vector<16x1xi32>
        %gather3A_130 = vector.shape_cast %reshape3A_129 : vector<16x1xi32> to vector<16xi32>
        %gather3A_131 = tpu.dynamic_gather %get3A_109[%gather3A_130] in [0] : vector<16xi32>, vector<16xi32> -> vector<16xi32>
        %reshape3A_132 = vector.shape_cast %min3A_128 : vector<16xi32> to vector<16x1xi32>
        %gather3A_133 = vector.shape_cast %reshape3A_132 : vector<16x1xi32> to vector<16xi32>
        %gather3A_134 = tpu.dynamic_gather %select_n3A[%gather3A_133] in [0] : vector<16xf32>, vector<16xi32> -> vector<16xf32>
        %eq3A_135 = arith.cmpi eq, %get3A_109, %gather3A_131 : vector<16xi32>
        %select_n3A_136 = arith.select %eq3A_135, %gather3A_134, %select_n3A : vector<16xi1>, vector<16xf32>
        %add3A_137 = arith.constant 4 : i32
        %add3A_138 = vector.broadcast %add3A_137 : i32 to vector<16xi32>
        %add3A_139 = arith.addi %iota3A, %add3A_138 : vector<16xi32>
        %min3A_140 = arith.constant 15 : i32
        %min3A_141 = vector.broadcast %min3A_140 : i32 to vector<16xi32>
        %min3A_142 = arith.minsi %add3A_139, %min3A_141 : vector<16xi32>
        %reshape3A_143 = vector.shape_cast %min3A_142 : vector<16xi32> to vector<16x1xi32>
        %gather3A_144 = vector.shape_cast %reshape3A_143 : vector<16x1xi32> to vector<16xi32>
        %gather3A_145 = tpu.dynamic_gather %get3A_109[%gather3A_144] in [0] : vector<16xi32>, vector<16xi32> -> vector<16xi32>
        %reshape3A_146 = vector.shape_cast %min3A_142 : vector<16xi32> to vector<16x1xi32>
        %gather3A_147 = vector.shape_cast %reshape3A_146 : vector<16x1xi32> to vector<16xi32>
        %gather3A_148 = tpu.dynamic_gather %select_n3A_136[%gather3A_147] in [0] : vector<16xf32>, vector<16xi32> -> vector<16xf32>
        %eq3A_149 = arith.cmpi eq, %get3A_109, %gather3A_145 : vector<16xi32>
        %select_n3A_150 = arith.select %eq3A_149, %gather3A_148, %select_n3A_136 : vector<16xi1>, vector<16xf32>
        %add3A_151 = arith.constant 8 : i32
        %add3A_152 = vector.broadcast %add3A_151 : i32 to vector<16xi32>
        %add3A_153 = arith.addi %iota3A, %add3A_152 : vector<16xi32>
        %min3A_154 = arith.constant 15 : i32
        %min3A_155 = vector.broadcast %min3A_154 : i32 to vector<16xi32>
        %min3A_156 = arith.minsi %add3A_153, %min3A_155 : vector<16xi32>
        %reshape3A_157 = vector.shape_cast %min3A_156 : vector<16xi32> to vector<16x1xi32>
        %gather3A_158 = vector.shape_cast %reshape3A_157 : vector<16x1xi32> to vector<16xi32>
        %gather3A_159 = tpu.dynamic_gather %get3A_109[%gather3A_158] in [0] : vector<16xi32>, vector<16xi32> -> vector<16xi32>
        %reshape3A_160 = vector.shape_cast %min3A_156 : vector<16xi32> to vector<16x1xi32>
        %gather3A_161 = vector.shape_cast %reshape3A_160 : vector<16x1xi32> to vector<16xi32>
        %gather3A_162 = tpu.dynamic_gather %select_n3A_150[%gather3A_161] in [0] : vector<16xf32>, vector<16xi32> -> vector<16xf32>
        %eq3A_163 = arith.cmpi eq, %get3A_109, %gather3A_159 : vector<16xi32>
        %select_n3A_164 = arith.select %eq3A_163, %gather3A_162, %select_n3A_150 : vector<16xi1>, vector<16xf32>
        %ge3A = vector.broadcast %add3A_14 : i32 to vector<16xi32>
        %ge3A_165 = arith.cmpi sge, %get3A_109, %ge3A : vector<16xi32>
        %lt3A = vector.broadcast %add3A_21 : i32 to vector<16xi32>
        %lt3A_166 = arith.cmpi slt, %get3A_109, %lt3A : vector<16xi32>
        %and3A_167 = arith.andi %ge3A_165, %lt3A_166 : vector<16xi1>
        %sub3A_168 = vector.broadcast %add3A_14 : i32 to vector<16xi32>
        %sub3A_169 = arith.subi %get3A_109, %sub3A_168 : vector<16xi32>
        %jit3A = arith.constant 0 : i32
        %jit3A_170 = arith.constant 47999 : i32
        %max3A = vector.broadcast %jit3A : i32 to vector<16xi32>
        %max3A_171 = arith.maxsi %max3A, %sub3A_169 : vector<16xi32>
        %min3A_172 = vector.broadcast %jit3A_170 : i32 to vector<16xi32>
        %min3A_173 = arith.minsi %min3A_172, %max3A_171 : vector<16xi32>
        tpu.vector_store_idx %arg6[%min3A_173], %select_n3A_164 masked %and3A_167 : memref<48000xf32, #tpu.memory_space<vmem>>[vector<16xi32>], vector<16xf32>, vector<16xi1>
        %lt3A_174 = vector.broadcast %add3A_21 : i32 to vector<16xi32>
        %lt3A_175 = arith.cmpi slt, %get3A_109, %lt3A_174 : vector<16xi32>
        %all_reduce_population_count3A = tpu.all_reduce %lt3A_175 {dim = 0 : i64, kind = #tpu.reduction_kind<sum>} : vector<16xi1> -> vector<16xi32>
        %reduce_max3A = arith.constant true
        %reduce_max3A_176 = vector.broadcast %reduce_max3A : i1 to vector<16xi1>
        %reduce_max3A_177 = arith.constant -2147483648 : i32
        %reduce_max3A_178 = vector.broadcast %reduce_max3A_177 : i32 to vector<16xi32>
        %reduce_max3A_179 = arith.xori %all_reduce_population_count3A, %reduce_max3A_178 : vector<16xi32>
        %reduce_max3A_180 = tpu.scan <max>, %reduce_max3A_179 masked %reduce_max3A_176 : vector<16xi32>, vector<16xi1> -> vector<16xi32>
        %reduce_max3A_181 = arith.xori %reduce_max3A_180, %reduce_max3A_178 : vector<16xi32>
        %reduce_max3A_182 = vector.extract %reduce_max3A_181[15] : i32 from vector<16xi32>
        %eq3A_183 = arith.constant 16 : i32
        %eq3A_184 = arith.cmpi eq, %reduce_max3A_182, %eq3A_183 : i32
        %add3A_185 = arith.constant 16 : i32
        %add3A_186 = arith.addi %while3A_104, %add3A_185 : i32
        %select_n3A_187 = arith.select %eq3A_184, %add3A_186, %while3A_104 : i32
        %not3A = arith.constant true
        %not3A_188 = arith.xori %eq3A_184, %not3A : i1
        %ge3A_189 = arith.constant 12800000 : i32
        %ge3A_190 = arith.cmpi sge, %select_n3A_187, %ge3A_189 : i32
        %or3A = arith.ori %not3A_188, %ge3A_190 : i1
        %not3A_191 = arith.constant true
        %not3A_192 = arith.xori %or3A, %not3A_191 : i1
        %sub3A_193 = arith.subi %select_n3A_187, %min3A_99 : i32
        %add3A_194 = arith.constant 16 : i32
        %add3A_195 = arith.addi %sub3A_193, %add3A_194 : i32
        %le3A = arith.constant 16384 : i32
        %le3A_196 = arith.cmpi sle, %add3A_195, %le3A : i32
        %and3A_197 = arith.andi %not3A_192, %le3A_196 : i1
        scf.yield %select_n3A_187, %or3A, %and3A_197 : i32, i1, i1
      }
      scf.yield %while3A_103#0, %while3A_103#1 : i32, i1
    }
    %multiple_of3A = tpu.assume_multiple %add3A_14, 16 : i32
    %dma_start3A = arith.constant 0 : i32
    %dma_start3A_23 = tpu.memref_slice %arg6[%dma_start3A] : memref<48000xf32, #tpu.memory_space<vmem>> -> memref<48000xf32, #tpu.memory_space<vmem>>
    %dma_start3A_24 = tpu.memref_slice %arg5[%multiple_of3A] : memref<51199232xf32, #tpu.memory_space<hbm>> -> memref<48000xf32, #tpu.memory_space<hbm>>
    %dma_start3A_25 = tpu.memref_slice %arg5[%multiple_of3A] : memref<51199232xf32, #tpu.memory_space<hbm>> -> memref<48000xf32, #tpu.memory_space<hbm>>
    %dma_start3A_26 = arith.constant 0 : i32
    %dma_start3A_27 = tpu.memref_slice %arg6[%dma_start3A_26] : memref<48000xf32, #tpu.memory_space<vmem>> -> memref<48000xf32, #tpu.memory_space<vmem>>
    tpu.enqueue_dma source(%dma_start3A_27 : memref<48000xf32, #tpu.memory_space<vmem>>) target(%dma_start3A_25 : memref<48000xf32, #tpu.memory_space<hbm>>) target_semaphore(%arg11 : memref<!tpu.dma_semaphore, #tpu.memory_space<semaphore_mem>>)
    %add3A_28 = arith.constant 48000 : i32
    %add3A_29 = arith.addi %mul3A_12, %add3A_28 : i32
    %scan3A_30 = arith.constant 0 : i32
    %scan3A_31 = arith.constant 0 : i32
    %scan3A_32 = arith.constant 3000 : i32
    %scan3A_33 = arith.addi %scan3A_31, %scan3A_32 : i32
    %scan3A_34 = arith.constant 8 : i32
    scf.for %scan3A_97 = %scan3A_31 to %scan3A_33 step %scan3A_34  : i32 {
      %mul3A_98 = arith.constant 16 : i32
      %mul3A_99 = arith.muli %scan3A_97, %mul3A_98 : i32
      %swap3A = arith.index_cast %mul3A_99 : i32 to index
      %swap3A_100 = tpu.vector_load %arg7[%swap3A] {strides = array<i32>} : memref<48000xf32, #tpu.memory_space<vmem>>, vector<16xf32>,
      tpu.vector_store %arg7[%swap3A], %broadcast_in_dim3A_1 {strides = array<i32>} : memref<48000xf32, #tpu.memory_space<vmem>>, vector<16xf32>,
      %scan3A_101 = arith.constant 1 : i32
      %scan3A_102 = arith.addi %scan3A_97, %scan3A_101 : i32
      %mul3A_103 = arith.constant 16 : i32
      %mul3A_104 = arith.muli %scan3A_102, %mul3A_103 : i32
      %swap3A_105 = arith.index_cast %mul3A_104 : i32 to index
      %swap3A_106 = tpu.vector_load %arg7[%swap3A_105] {strides = array<i32>} : memref<48000xf32, #tpu.memory_space<vmem>>, vector<16xf32>,
      tpu.vector_store %arg7[%swap3A_105], %broadcast_in_dim3A_1 {strides = array<i32>} : memref<48000xf32, #tpu.memory_space<vmem>>, vector<16xf32>,
      %scan3A_107 = arith.constant 2 : i32
      %scan3A_108 = arith.addi %scan3A_97, %scan3A_107 : i32
      %mul3A_109 = arith.constant 16 : i32
      %mul3A_110 = arith.muli %scan3A_108, %mul3A_109 : i32
      %swap3A_111 = arith.index_cast %mul3A_110 : i32 to index
      %swap3A_112 = tpu.vector_load %arg7[%swap3A_111] {strides = array<i32>} : memref<48000xf32, #tpu.memory_space<vmem>>, vector<16xf32>,
      tpu.vector_store %arg7[%swap3A_111], %broadcast_in_dim3A_1 {strides = array<i32>} : memref<48000xf32, #tpu.memory_space<vmem>>, vector<16xf32>,
      %scan3A_113 = arith.constant 3 : i32
      %scan3A_114 = arith.addi %scan3A_97, %scan3A_113 : i32
      %mul3A_115 = arith.constant 16 : i32
      %mul3A_116 = arith.muli %scan3A_114, %mul3A_115 : i32
      %swap3A_117 = arith.index_cast %mul3A_116 : i32 to index
      %swap3A_118 = tpu.vector_load %arg7[%swap3A_117] {strides = array<i32>} : memref<48000xf32, #tpu.memory_space<vmem>>, vector<16xf32>,
      tpu.vector_store %arg7[%swap3A_117], %broadcast_in_dim3A_1 {strides = array<i32>} : memref<48000xf32, #tpu.memory_space<vmem>>, vector<16xf32>,
      %scan3A_119 = arith.constant 4 : i32
      %scan3A_120 = arith.addi %scan3A_97, %scan3A_119 : i32
      %mul3A_121 = arith.constant 16 : i32
      %mul3A_122 = arith.muli %scan3A_120, %mul3A_121 : i32
      %swap3A_123 = arith.index_cast %mul3A_122 : i32 to index
      %swap3A_124 = tpu.vector_load %arg7[%swap3A_123] {strides = array<i32>} : memref<48000xf32, #tpu.memory_space<vmem>>, vector<16xf32>,
      tpu.vector_store %arg7[%swap3A_123], %broadcast_in_dim3A_1 {strides = array<i32>} : memref<48000xf32, #tpu.memory_space<vmem>>, vector<16xf32>,
      %scan3A_125 = arith.constant 5 : i32
      %scan3A_126 = arith.addi %scan3A_97, %scan3A_125 : i32
      %mul3A_127 = arith.constant 16 : i32
      %mul3A_128 = arith.muli %scan3A_126, %mul3A_127 : i32
      %swap3A_129 = arith.index_cast %mul3A_128 : i32 to index
      %swap3A_130 = tpu.vector_load %arg7[%swap3A_129] {strides = array<i32>} : memref<48000xf32, #tpu.memory_space<vmem>>, vector<16xf32>,
      tpu.vector_store %arg7[%swap3A_129], %broadcast_in_dim3A_1 {strides = array<i32>} : memref<48000xf32, #tpu.memory_space<vmem>>, vector<16xf32>,
      %scan3A_131 = arith.constant 6 : i32
      %scan3A_132 = arith.addi %scan3A_97, %scan3A_131 : i32
      %mul3A_133 = arith.constant 16 : i32
      %mul3A_134 = arith.muli %scan3A_132, %mul3A_133 : i32
      %swap3A_135 = arith.index_cast %mul3A_134 : i32 to index
      %swap3A_136 = tpu.vector_load %arg7[%swap3A_135] {strides = array<i32>} : memref<48000xf32, #tpu.memory_space<vmem>>, vector<16xf32>,
      tpu.vector_store %arg7[%swap3A_135], %broadcast_in_dim3A_1 {strides = array<i32>} : memref<48000xf32, #tpu.memory_space<vmem>>, vector<16xf32>,
      %scan3A_137 = arith.constant 7 : i32
      %scan3A_138 = arith.addi %scan3A_97, %scan3A_137 : i32
      %mul3A_139 = arith.constant 16 : i32
      %mul3A_140 = arith.muli %scan3A_138, %mul3A_139 : i32
      %swap3A_141 = arith.index_cast %mul3A_140 : i32 to index
      %swap3A_142 = tpu.vector_load %arg7[%swap3A_141] {strides = array<i32>} : memref<48000xf32, #tpu.memory_space<vmem>>, vector<16xf32>,
      tpu.vector_store %arg7[%swap3A_141], %broadcast_in_dim3A_1 {strides = array<i32>} : memref<48000xf32, #tpu.memory_space<vmem>>, vector<16xf32>,
    }
    %scan3A_35 = arith.constant 3000 : i32
    %add3A_36 = arith.constant 48000 : i32
    %add3A_37 = arith.addi %add3A_29, %add3A_36 : i32
    %while3A_38 = arith.constant false
    %while3A_39:2 = scf.while (%while3A_97 = %while3A_22#0, %while3A_98 = %while3A_38) : (i32, i1) -> (i32, i1) {
      %not3A = arith.constant true
      %not3A_99 = arith.xori %while3A_98, %not3A : i1
      scf.condition(%not3A_99) %while3A_97, %while3A_98 : i32, i1
    } do {
    ^bb0(%while3A_97: i32, %while3A_98: i1):
      %min3A = arith.constant 12783616 : i32
      %min3A_99 = arith.minsi %while3A_97, %min3A : i32
      %multiple_of3A_100 = tpu.assume_multiple %min3A_99, 16 : i32
      "tpu.region"() ({
        %run_scoped3A = tpu.sem_alloc : memref<!tpu.dma_semaphore, #tpu.memory_space<semaphore_mem>>
        %dma_start3A_104 = tpu.memref_slice %arg2[%multiple_of3A_100] : memref<12800000xi32, #tpu.memory_space<hbm>> -> memref<16384xi32, #tpu.memory_space<hbm>>
        %dma_start3A_105 = tpu.memref_slice %arg2[%multiple_of3A_100] : memref<12800000xi32, #tpu.memory_space<hbm>> -> memref<16384xi32, #tpu.memory_space<hbm>>
        tpu.enqueue_dma source(%dma_start3A_105 : memref<16384xi32, #tpu.memory_space<hbm>>) target(%arg8 : memref<16384xi32, #tpu.memory_space<vmem>>) target_semaphore(%run_scoped3A : memref<!tpu.dma_semaphore, #tpu.memory_space<semaphore_mem>>)
        %dma_wait3A_106 = tpu.memref_slice %arg2[%multiple_of3A_100] : memref<12800000xi32, #tpu.memory_space<hbm>> -> memref<16384xi32, #tpu.memory_space<hbm>>
        %dma_wait3A_107 = tpu.memref_slice %arg2[%multiple_of3A_100] : memref<12800000xi32, #tpu.memory_space<hbm>> -> memref<16384xi32, #tpu.memory_space<hbm>>
        tpu.wait_dma2 semaphore(%run_scoped3A : memref<!tpu.dma_semaphore, #tpu.memory_space<semaphore_mem>>) src(%dma_wait3A_107 : memref<16384xi32, #tpu.memory_space<hbm>>) dst(%arg8 : memref<16384xi32, #tpu.memory_space<vmem>>)
        tpu.yield
      }) : () -> ()
      "tpu.region"() ({
        %run_scoped3A = tpu.sem_alloc : memref<!tpu.dma_semaphore, #tpu.memory_space<semaphore_mem>>
        %dma_start3A_104 = tpu.memref_slice %arg3[%multiple_of3A_100] : memref<12800000xf32, #tpu.memory_space<hbm>> -> memref<16384xf32, #tpu.memory_space<hbm>>
        %dma_start3A_105 = tpu.memref_slice %arg3[%multiple_of3A_100] : memref<12800000xf32, #tpu.memory_space<hbm>> -> memref<16384xf32, #tpu.memory_space<hbm>>
        tpu.enqueue_dma source(%dma_start3A_105 : memref<16384xf32, #tpu.memory_space<hbm>>) target(%arg9 : memref<16384xf32, #tpu.memory_space<vmem>>) target_semaphore(%run_scoped3A : memref<!tpu.dma_semaphore, #tpu.memory_space<semaphore_mem>>)
        %dma_wait3A_106 = tpu.memref_slice %arg3[%multiple_of3A_100] : memref<12800000xf32, #tpu.memory_space<hbm>> -> memref<16384xf32, #tpu.memory_space<hbm>>
        %dma_wait3A_107 = tpu.memref_slice %arg3[%multiple_of3A_100] : memref<12800000xf32, #tpu.memory_space<hbm>> -> memref<16384xf32, #tpu.memory_space<hbm>>
        tpu.wait_dma2 semaphore(%run_scoped3A : memref<!tpu.dma_semaphore, #tpu.memory_space<semaphore_mem>>) src(%dma_wait3A_107 : memref<16384xf32, #tpu.memory_space<hbm>>) dst(%arg9 : memref<16384xf32, #tpu.memory_space<vmem>>)
        tpu.yield
      }) : () -> ()
      %while3A_101 = arith.constant false
      %while3A_102 = arith.constant true
      %while3A_103:3 = scf.while (%while3A_104 = %while3A_97, %while3A_105 = %while3A_101, %while3A_106 = %while3A_102) : (i32, i1, i1) -> (i32, i1, i1) {
        scf.condition(%while3A_106) %while3A_104, %while3A_105, %while3A_106 : i32, i1, i1
      } do {
      ^bb0(%while3A_104: i32, %while3A_105: i1, %while3A_106: i1):
        %sub3A_107 = arith.subi %while3A_104, %min3A_99 : i32
        %get3A_108 = arith.index_cast %sub3A_107 : i32 to index
        %get3A_109 = tpu.vector_load %arg8[%get3A_108] {strides = array<i32>} : memref<16384xi32, #tpu.memory_space<vmem>>, vector<16xi32>,
        %get3A_110 = arith.index_cast %sub3A_107 : i32 to index
        %get3A_111 = tpu.vector_load %arg9[%get3A_110] {strides = array<i32>} : memref<16384xf32, #tpu.memory_space<vmem>>, vector<16xf32>,
        %add3A_112 = arith.constant 1 : i32
        %add3A_113 = vector.broadcast %add3A_112 : i32 to vector<16xi32>
        %add3A_114 = arith.addi %iota3A, %add3A_113 : vector<16xi32>
        %min3A_115 = arith.constant 15 : i32
        %min3A_116 = vector.broadcast %min3A_115 : i32 to vector<16xi32>
        %min3A_117 = arith.minsi %add3A_114, %min3A_116 : vector<16xi32>
        %reshape3A = vector.shape_cast %min3A_117 : vector<16xi32> to vector<16x1xi32>
        %gather3A = vector.shape_cast %reshape3A : vector<16x1xi32> to vector<16xi32>
        %gather3A_118 = tpu.dynamic_gather %get3A_109[%gather3A] in [0] : vector<16xi32>, vector<16xi32> -> vector<16xi32>
        %reshape3A_119 = vector.shape_cast %min3A_117 : vector<16xi32> to vector<16x1xi32>
        %gather3A_120 = vector.shape_cast %reshape3A_119 : vector<16x1xi32> to vector<16xi32>
        %gather3A_121 = tpu.dynamic_gather %get3A_111[%gather3A_120] in [0] : vector<16xf32>, vector<16xi32> -> vector<16xf32>
        %eq3A_122 = arith.cmpi eq, %get3A_109, %gather3A_118 : vector<16xi32>
        %select_n3A = arith.select %eq3A_122, %gather3A_121, %get3A_111 : vector<16xi1>, vector<16xf32>
        %add3A_123 = arith.constant 2 : i32
        %add3A_124 = vector.broadcast %add3A_123 : i32 to vector<16xi32>
        %add3A_125 = arith.addi %iota3A, %add3A_124 : vector<16xi32>
        %min3A_126 = arith.constant 15 : i32
        %min3A_127 = vector.broadcast %min3A_126 : i32 to vector<16xi32>
        %min3A_128 = arith.minsi %add3A_125, %min3A_127 : vector<16xi32>
        %reshape3A_129 = vector.shape_cast %min3A_128 : vector<16xi32> to vector<16x1xi32>
        %gather3A_130 = vector.shape_cast %reshape3A_129 : vector<16x1xi32> to vector<16xi32>
        %gather3A_131 = tpu.dynamic_gather %get3A_109[%gather3A_130] in [0] : vector<16xi32>, vector<16xi32> -> vector<16xi32>
        %reshape3A_132 = vector.shape_cast %min3A_128 : vector<16xi32> to vector<16x1xi32>
        %gather3A_133 = vector.shape_cast %reshape3A_132 : vector<16x1xi32> to vector<16xi32>
        %gather3A_134 = tpu.dynamic_gather %select_n3A[%gather3A_133] in [0] : vector<16xf32>, vector<16xi32> -> vector<16xf32>
        %eq3A_135 = arith.cmpi eq, %get3A_109, %gather3A_131 : vector<16xi32>
        %select_n3A_136 = arith.select %eq3A_135, %gather3A_134, %select_n3A : vector<16xi1>, vector<16xf32>
        %add3A_137 = arith.constant 4 : i32
        %add3A_138 = vector.broadcast %add3A_137 : i32 to vector<16xi32>
        %add3A_139 = arith.addi %iota3A, %add3A_138 : vector<16xi32>
        %min3A_140 = arith.constant 15 : i32
        %min3A_141 = vector.broadcast %min3A_140 : i32 to vector<16xi32>
        %min3A_142 = arith.minsi %add3A_139, %min3A_141 : vector<16xi32>
        %reshape3A_143 = vector.shape_cast %min3A_142 : vector<16xi32> to vector<16x1xi32>
        %gather3A_144 = vector.shape_cast %reshape3A_143 : vector<16x1xi32> to vector<16xi32>
        %gather3A_145 = tpu.dynamic_gather %get3A_109[%gather3A_144] in [0] : vector<16xi32>, vector<16xi32> -> vector<16xi32>
        %reshape3A_146 = vector.shape_cast %min3A_142 : vector<16xi32> to vector<16x1xi32>
        %gather3A_147 = vector.shape_cast %reshape3A_146 : vector<16x1xi32> to vector<16xi32>
        %gather3A_148 = tpu.dynamic_gather %select_n3A_136[%gather3A_147] in [0] : vector<16xf32>, vector<16xi32> -> vector<16xf32>
        %eq3A_149 = arith.cmpi eq, %get3A_109, %gather3A_145 : vector<16xi32>
        %select_n3A_150 = arith.select %eq3A_149, %gather3A_148, %select_n3A_136 : vector<16xi1>, vector<16xf32>
        %add3A_151 = arith.constant 8 : i32
        %add3A_152 = vector.broadcast %add3A_151 : i32 to vector<16xi32>
        %add3A_153 = arith.addi %iota3A, %add3A_152 : vector<16xi32>
        %min3A_154 = arith.constant 15 : i32
        %min3A_155 = vector.broadcast %min3A_154 : i32 to vector<16xi32>
        %min3A_156 = arith.minsi %add3A_153, %min3A_155 : vector<16xi32>
        %reshape3A_157 = vector.shape_cast %min3A_156 : vector<16xi32> to vector<16x1xi32>
        %gather3A_158 = vector.shape_cast %reshape3A_157 : vector<16x1xi32> to vector<16xi32>
        %gather3A_159 = tpu.dynamic_gather %get3A_109[%gather3A_158] in [0] : vector<16xi32>, vector<16xi32> -> vector<16xi32>
        %reshape3A_160 = vector.shape_cast %min3A_156 : vector<16xi32> to vector<16x1xi32>
        %gather3A_161 = vector.shape_cast %reshape3A_160 : vector<16x1xi32> to vector<16xi32>
        %gather3A_162 = tpu.dynamic_gather %select_n3A_150[%gather3A_161] in [0] : vector<16xf32>, vector<16xi32> -> vector<16xf32>
        %eq3A_163 = arith.cmpi eq, %get3A_109, %gather3A_159 : vector<16xi32>
        %select_n3A_164 = arith.select %eq3A_163, %gather3A_162, %select_n3A_150 : vector<16xi1>, vector<16xf32>
        %ge3A = vector.broadcast %add3A_29 : i32 to vector<16xi32>
        %ge3A_165 = arith.cmpi sge, %get3A_109, %ge3A : vector<16xi32>
        %lt3A = vector.broadcast %add3A_37 : i32 to vector<16xi32>
        %lt3A_166 = arith.cmpi slt, %get3A_109, %lt3A : vector<16xi32>
        %and3A_167 = arith.andi %ge3A_165, %lt3A_166 : vector<16xi1>
        %sub3A_168 = vector.broadcast %add3A_29 : i32 to vector<16xi32>
        %sub3A_169 = arith.subi %get3A_109, %sub3A_168 : vector<16xi32>
        %jit3A = arith.constant 0 : i32
        %jit3A_170 = arith.constant 47999 : i32
        %max3A = vector.broadcast %jit3A : i32 to vector<16xi32>
        %max3A_171 = arith.maxsi %max3A, %sub3A_169 : vector<16xi32>
        %min3A_172 = vector.broadcast %jit3A_170 : i32 to vector<16xi32>
        %min3A_173 = arith.minsi %min3A_172, %max3A_171 : vector<16xi32>
        tpu.vector_store_idx %arg7[%min3A_173], %select_n3A_164 masked %and3A_167 : memref<48000xf32, #tpu.memory_space<vmem>>[vector<16xi32>], vector<16xf32>, vector<16xi1>
        %lt3A_174 = vector.broadcast %add3A_37 : i32 to vector<16xi32>
        %lt3A_175 = arith.cmpi slt, %get3A_109, %lt3A_174 : vector<16xi32>
        %all_reduce_population_count3A = tpu.all_reduce %lt3A_175 {dim = 0 : i64, kind = #tpu.reduction_kind<sum>} : vector<16xi1> -> vector<16xi32>
        %reduce_max3A = arith.constant true
        %reduce_max3A_176 = vector.broadcast %reduce_max3A : i1 to vector<16xi1>
        %reduce_max3A_177 = arith.constant -2147483648 : i32
        %reduce_max3A_178 = vector.broadcast %reduce_max3A_177 : i32 to vector<16xi32>
        %reduce_max3A_179 = arith.xori %all_reduce_population_count3A, %reduce_max3A_178 : vector<16xi32>
        %reduce_max3A_180 = tpu.scan <max>, %reduce_max3A_179 masked %reduce_max3A_176 : vector<16xi32>, vector<16xi1> -> vector<16xi32>
        %reduce_max3A_181 = arith.xori %reduce_max3A_180, %reduce_max3A_178 : vector<16xi32>
        %reduce_max3A_182 = vector.extract %reduce_max3A_181[15] : i32 from vector<16xi32>
        %eq3A_183 = arith.constant 16 : i32
        %eq3A_184 = arith.cmpi eq, %reduce_max3A_182, %eq3A_183 : i32
        %add3A_185 = arith.constant 16 : i32
        %add3A_186 = arith.addi %while3A_104, %add3A_185 : i32
        %select_n3A_187 = arith.select %eq3A_184, %add3A_186, %while3A_104 : i32
        %not3A = arith.constant true
        %not3A_188 = arith.xori %eq3A_184, %not3A : i1
        %ge3A_189 = arith.constant 12800000 : i32
        %ge3A_190 = arith.cmpi sge, %select_n3A_187, %ge3A_189 : i32
        %or3A = arith.ori %not3A_188, %ge3A_190 : i1
        %not3A_191 = arith.constant true
        %not3A_192 = arith.xori %or3A, %not3A_191 : i1
        %sub3A_193 = arith.subi %select_n3A_187, %min3A_99 : i32
        %add3A_194 = arith.constant 16 : i32
        %add3A_195 = arith.addi %sub3A_193, %add3A_194 : i32
        %le3A = arith.constant 16384 : i32
        %le3A_196 = arith.cmpi sle, %add3A_195, %le3A : i32
        %and3A_197 = arith.andi %not3A_192, %le3A_196 : i1
        scf.yield %select_n3A_187, %or3A, %and3A_197 : i32, i1, i1
      }
      scf.yield %while3A_103#0, %while3A_103#1 : i32, i1
    }
    %multiple_of3A_40 = tpu.assume_multiple %add3A_29, 16 : i32
    %dma_start3A_41 = arith.constant 0 : i32
    %dma_start3A_42 = tpu.memref_slice %arg7[%dma_start3A_41] : memref<48000xf32, #tpu.memory_space<vmem>> -> memref<48000xf32, #tpu.memory_space<vmem>>
    %dma_start3A_43 = tpu.memref_slice %arg5[%multiple_of3A_40] : memref<51199232xf32, #tpu.memory_space<hbm>> -> memref<48000xf32, #tpu.memory_space<hbm>>
    %dma_start3A_44 = tpu.memref_slice %arg5[%multiple_of3A_40] : memref<51199232xf32, #tpu.memory_space<hbm>> -> memref<48000xf32, #tpu.memory_space<hbm>>
    %dma_start3A_45 = arith.constant 0 : i32
    %dma_start3A_46 = tpu.memref_slice %arg7[%dma_start3A_45] : memref<48000xf32, #tpu.memory_space<vmem>> -> memref<48000xf32, #tpu.memory_space<vmem>>
    tpu.enqueue_dma source(%dma_start3A_46 : memref<48000xf32, #tpu.memory_space<vmem>>) target(%dma_start3A_44 : memref<48000xf32, #tpu.memory_space<hbm>>) target_semaphore(%arg12 : memref<!tpu.dma_semaphore, #tpu.memory_space<semaphore_mem>>)
    %scan3A_47 = arith.constant 1 : i32
    %scan3A_48 = arith.constant 15 : i32
    %scan3A_49 = arith.addi %scan3A_47, %scan3A_48 : i32
    %scan3A_50 = arith.constant 1 : i32
    %scan3A_51 = scf.for %scan3A_97 = %scan3A_47 to %scan3A_49 step %scan3A_50 iter_args(%scan3A_98 = %while3A_39#0) -> (i32)  : i32 {
      %mul3A_99 = arith.constant 2 : i32
      %mul3A_100 = arith.muli %scan3A_97, %mul3A_99 : i32
      %mul3A_101 = arith.constant 48000 : i32
      %mul3A_102 = arith.muli %mul3A_100, %mul3A_101 : i32
      %add3A_103 = arith.addi %mul3A_12, %mul3A_102 : i32
      %sub3A_104 = arith.constant 96000 : i32
      %sub3A_105 = arith.subi %add3A_103, %sub3A_104 : i32
      %multiple_of3A_106 = tpu.assume_multiple %sub3A_105, 16 : i32
      %dma_wait3A_107 = arith.constant 0 : i32
      %dma_wait3A_108 = tpu.memref_slice %arg6[%dma_wait3A_107] : memref<48000xf32, #tpu.memory_space<vmem>> -> memref<48000xf32, #tpu.memory_space<vmem>>
      %dma_wait3A_109 = tpu.memref_slice %arg5[%multiple_of3A_106] : memref<51199232xf32, #tpu.memory_space<hbm>> -> memref<48000xf32, #tpu.memory_space<hbm>>
      %dma_wait3A_110 = tpu.memref_slice %arg5[%multiple_of3A_106] : memref<51199232xf32, #tpu.memory_space<hbm>> -> memref<48000xf32, #tpu.memory_space<hbm>>
      %dma_wait3A_111 = arith.constant 0 : i32
      %dma_wait3A_112 = tpu.memref_slice %arg6[%dma_wait3A_111] : memref<48000xf32, #tpu.memory_space<vmem>> -> memref<48000xf32, #tpu.memory_space<vmem>>
      tpu.wait_dma2 semaphore(%arg11 : memref<!tpu.dma_semaphore, #tpu.memory_space<semaphore_mem>>) src(%dma_wait3A_112 : memref<48000xf32, #tpu.memory_space<vmem>>) dst(%dma_wait3A_110 : memref<48000xf32, #tpu.memory_space<hbm>>)
      %scan3A_113 = arith.constant 0 : i32
      %scan3A_114 = arith.constant 0 : i32
      %scan3A_115 = arith.constant 3000 : i32
      %scan3A_116 = arith.addi %scan3A_114, %scan3A_115 : i32
      %scan3A_117 = arith.constant 8 : i32
      scf.for %scan3A_163 = %scan3A_114 to %scan3A_116 step %scan3A_117  : i32 {
        %mul3A_164 = arith.constant 16 : i32
        %mul3A_165 = arith.muli %scan3A_163, %mul3A_164 : i32
        %swap3A = arith.index_cast %mul3A_165 : i32 to index
        %swap3A_166 = tpu.vector_load %arg6[%swap3A] {strides = array<i32>} : memref<48000xf32, #tpu.memory_space<vmem>>, vector<16xf32>,
        tpu.vector_store %arg6[%swap3A], %broadcast_in_dim3A_1 {strides = array<i32>} : memref<48000xf32, #tpu.memory_space<vmem>>, vector<16xf32>,
        %scan3A_167 = arith.constant 1 : i32
        %scan3A_168 = arith.addi %scan3A_163, %scan3A_167 : i32
        %mul3A_169 = arith.constant 16 : i32
        %mul3A_170 = arith.muli %scan3A_168, %mul3A_169 : i32
        %swap3A_171 = arith.index_cast %mul3A_170 : i32 to index
        %swap3A_172 = tpu.vector_load %arg6[%swap3A_171] {strides = array<i32>} : memref<48000xf32, #tpu.memory_space<vmem>>, vector<16xf32>,
        tpu.vector_store %arg6[%swap3A_171], %broadcast_in_dim3A_1 {strides = array<i32>} : memref<48000xf32, #tpu.memory_space<vmem>>, vector<16xf32>,
        %scan3A_173 = arith.constant 2 : i32
        %scan3A_174 = arith.addi %scan3A_163, %scan3A_173 : i32
        %mul3A_175 = arith.constant 16 : i32
        %mul3A_176 = arith.muli %scan3A_174, %mul3A_175 : i32
        %swap3A_177 = arith.index_cast %mul3A_176 : i32 to index
        %swap3A_178 = tpu.vector_load %arg6[%swap3A_177] {strides = array<i32>} : memref<48000xf32, #tpu.memory_space<vmem>>, vector<16xf32>,
        tpu.vector_store %arg6[%swap3A_177], %broadcast_in_dim3A_1 {strides = array<i32>} : memref<48000xf32, #tpu.memory_space<vmem>>, vector<16xf32>,
        %scan3A_179 = arith.constant 3 : i32
        %scan3A_180 = arith.addi %scan3A_163, %scan3A_179 : i32
        %mul3A_181 = arith.constant 16 : i32
        %mul3A_182 = arith.muli %scan3A_180, %mul3A_181 : i32
        %swap3A_183 = arith.index_cast %mul3A_182 : i32 to index
        %swap3A_184 = tpu.vector_load %arg6[%swap3A_183] {strides = array<i32>} : memref<48000xf32, #tpu.memory_space<vmem>>, vector<16xf32>,
        tpu.vector_store %arg6[%swap3A_183], %broadcast_in_dim3A_1 {strides = array<i32>} : memref<48000xf32, #tpu.memory_space<vmem>>, vector<16xf32>,
        %scan3A_185 = arith.constant 4 : i32
        %scan3A_186 = arith.addi %scan3A_163, %scan3A_185 : i32
        %mul3A_187 = arith.constant 16 : i32
        %mul3A_188 = arith.muli %scan3A_186, %mul3A_187 : i32
        %swap3A_189 = arith.index_cast %mul3A_188 : i32 to index
        %swap3A_190 = tpu.vector_load %arg6[%swap3A_189] {strides = array<i32>} : memref<48000xf32, #tpu.memory_space<vmem>>, vector<16xf32>,
        tpu.vector_store %arg6[%swap3A_189], %broadcast_in_dim3A_1 {strides = array<i32>} : memref<48000xf32, #tpu.memory_space<vmem>>, vector<16xf32>,
        %scan3A_191 = arith.constant 5 : i32
        %scan3A_192 = arith.addi %scan3A_163, %scan3A_191 : i32
        %mul3A_193 = arith.constant 16 : i32
        %mul3A_194 = arith.muli %scan3A_192, %mul3A_193 : i32
        %swap3A_195 = arith.index_cast %mul3A_194 : i32 to index
        %swap3A_196 = tpu.vector_load %arg6[%swap3A_195] {strides = array<i32>} : memref<48000xf32, #tpu.memory_space<vmem>>, vector<16xf32>,
        tpu.vector_store %arg6[%swap3A_195], %broadcast_in_dim3A_1 {strides = array<i32>} : memref<48000xf32, #tpu.memory_space<vmem>>, vector<16xf32>,
        %scan3A_197 = arith.constant 6 : i32
        %scan3A_198 = arith.addi %scan3A_163, %scan3A_197 : i32
        %mul3A_199 = arith.constant 16 : i32
        %mul3A_200 = arith.muli %scan3A_198, %mul3A_199 : i32
        %swap3A_201 = arith.index_cast %mul3A_200 : i32 to index
        %swap3A_202 = tpu.vector_load %arg6[%swap3A_201] {strides = array<i32>} : memref<48000xf32, #tpu.memory_space<vmem>>, vector<16xf32>,
        tpu.vector_store %arg6[%swap3A_201], %broadcast_in_dim3A_1 {strides = array<i32>} : memref<48000xf32, #tpu.memory_space<vmem>>, vector<16xf32>,
        %scan3A_203 = arith.constant 7 : i32
        %scan3A_204 = arith.addi %scan3A_163, %scan3A_203 : i32
        %mul3A_205 = arith.constant 16 : i32
        %mul3A_206 = arith.muli %scan3A_204, %mul3A_205 : i32
        %swap3A_207 = arith.index_cast %mul3A_206 : i32 to index
        %swap3A_208 = tpu.vector_load %arg6[%swap3A_207] {strides = array<i32>} : memref<48000xf32, #tpu.memory_space<vmem>>, vector<16xf32>,
        tpu.vector_store %arg6[%swap3A_207], %broadcast_in_dim3A_1 {strides = array<i32>} : memref<48000xf32, #tpu.memory_space<vmem>>, vector<16xf32>,
      }
      %scan3A_118 = arith.constant 3000 : i32
      %add3A_119 = arith.constant 48000 : i32
      %add3A_120 = arith.addi %add3A_103, %add3A_119 : i32
      %while3A_121 = arith.constant false
      %while3A_122:2 = scf.while (%while3A_163 = %scan3A_98, %while3A_164 = %while3A_121) : (i32, i1) -> (i32, i1) {
        %not3A = arith.constant true
        %not3A_165 = arith.xori %while3A_164, %not3A : i1
        scf.condition(%not3A_165) %while3A_163, %while3A_164 : i32, i1
      } do {
      ^bb0(%while3A_163: i32, %while3A_164: i1):
        %min3A = arith.constant 12783616 : i32
        %min3A_165 = arith.minsi %while3A_163, %min3A : i32
        %multiple_of3A_166 = tpu.assume_multiple %min3A_165, 16 : i32
        "tpu.region"() ({
          %run_scoped3A = tpu.sem_alloc : memref<!tpu.dma_semaphore, #tpu.memory_space<semaphore_mem>>
          %dma_start3A_170 = tpu.memref_slice %arg2[%multiple_of3A_166] : memref<12800000xi32, #tpu.memory_space<hbm>> -> memref<16384xi32, #tpu.memory_space<hbm>>
          %dma_start3A_171 = tpu.memref_slice %arg2[%multiple_of3A_166] : memref<12800000xi32, #tpu.memory_space<hbm>> -> memref<16384xi32, #tpu.memory_space<hbm>>
          tpu.enqueue_dma source(%dma_start3A_171 : memref<16384xi32, #tpu.memory_space<hbm>>) target(%arg8 : memref<16384xi32, #tpu.memory_space<vmem>>) target_semaphore(%run_scoped3A : memref<!tpu.dma_semaphore, #tpu.memory_space<semaphore_mem>>)
          %dma_wait3A_172 = tpu.memref_slice %arg2[%multiple_of3A_166] : memref<12800000xi32, #tpu.memory_space<hbm>> -> memref<16384xi32, #tpu.memory_space<hbm>>
          %dma_wait3A_173 = tpu.memref_slice %arg2[%multiple_of3A_166] : memref<12800000xi32, #tpu.memory_space<hbm>> -> memref<16384xi32, #tpu.memory_space<hbm>>
          tpu.wait_dma2 semaphore(%run_scoped3A : memref<!tpu.dma_semaphore, #tpu.memory_space<semaphore_mem>>) src(%dma_wait3A_173 : memref<16384xi32, #tpu.memory_space<hbm>>) dst(%arg8 : memref<16384xi32, #tpu.memory_space<vmem>>)
          tpu.yield
        }) : () -> ()
        "tpu.region"() ({
          %run_scoped3A = tpu.sem_alloc : memref<!tpu.dma_semaphore, #tpu.memory_space<semaphore_mem>>
          %dma_start3A_170 = tpu.memref_slice %arg3[%multiple_of3A_166] : memref<12800000xf32, #tpu.memory_space<hbm>> -> memref<16384xf32, #tpu.memory_space<hbm>>
          %dma_start3A_171 = tpu.memref_slice %arg3[%multiple_of3A_166] : memref<12800000xf32, #tpu.memory_space<hbm>> -> memref<16384xf32, #tpu.memory_space<hbm>>
          tpu.enqueue_dma source(%dma_start3A_171 : memref<16384xf32, #tpu.memory_space<hbm>>) target(%arg9 : memref<16384xf32, #tpu.memory_space<vmem>>) target_semaphore(%run_scoped3A : memref<!tpu.dma_semaphore, #tpu.memory_space<semaphore_mem>>)
          %dma_wait3A_172 = tpu.memref_slice %arg3[%multiple_of3A_166] : memref<12800000xf32, #tpu.memory_space<hbm>> -> memref<16384xf32, #tpu.memory_space<hbm>>
          %dma_wait3A_173 = tpu.memref_slice %arg3[%multiple_of3A_166] : memref<12800000xf32, #tpu.memory_space<hbm>> -> memref<16384xf32, #tpu.memory_space<hbm>>
          tpu.wait_dma2 semaphore(%run_scoped3A : memref<!tpu.dma_semaphore, #tpu.memory_space<semaphore_mem>>) src(%dma_wait3A_173 : memref<16384xf32, #tpu.memory_space<hbm>>) dst(%arg9 : memref<16384xf32, #tpu.memory_space<vmem>>)
          tpu.yield
        }) : () -> ()
        %while3A_167 = arith.constant false
        %while3A_168 = arith.constant true
        %while3A_169:3 = scf.while (%while3A_170 = %while3A_163, %while3A_171 = %while3A_167, %while3A_172 = %while3A_168) : (i32, i1, i1) -> (i32, i1, i1) {
          scf.condition(%while3A_172) %while3A_170, %while3A_171, %while3A_172 : i32, i1, i1
        } do {
        ^bb0(%while3A_170: i32, %while3A_171: i1, %while3A_172: i1):
          %sub3A_173 = arith.subi %while3A_170, %min3A_165 : i32
          %get3A_174 = arith.index_cast %sub3A_173 : i32 to index
          %get3A_175 = tpu.vector_load %arg8[%get3A_174] {strides = array<i32>} : memref<16384xi32, #tpu.memory_space<vmem>>, vector<16xi32>,
          %get3A_176 = arith.index_cast %sub3A_173 : i32 to index
          %get3A_177 = tpu.vector_load %arg9[%get3A_176] {strides = array<i32>} : memref<16384xf32, #tpu.memory_space<vmem>>, vector<16xf32>,
          %add3A_178 = arith.constant 1 : i32
          %add3A_179 = vector.broadcast %add3A_178 : i32 to vector<16xi32>
          %add3A_180 = arith.addi %iota3A, %add3A_179 : vector<16xi32>
          %min3A_181 = arith.constant 15 : i32
          %min3A_182 = vector.broadcast %min3A_181 : i32 to vector<16xi32>
          %min3A_183 = arith.minsi %add3A_180, %min3A_182 : vector<16xi32>
          %reshape3A = vector.shape_cast %min3A_183 : vector<16xi32> to vector<16x1xi32>
          %gather3A = vector.shape_cast %reshape3A : vector<16x1xi32> to vector<16xi32>
          %gather3A_184 = tpu.dynamic_gather %get3A_175[%gather3A] in [0] : vector<16xi32>, vector<16xi32> -> vector<16xi32>
          %reshape3A_185 = vector.shape_cast %min3A_183 : vector<16xi32> to vector<16x1xi32>
          %gather3A_186 = vector.shape_cast %reshape3A_185 : vector<16x1xi32> to vector<16xi32>
          %gather3A_187 = tpu.dynamic_gather %get3A_177[%gather3A_186] in [0] : vector<16xf32>, vector<16xi32> -> vector<16xf32>
          %eq3A_188 = arith.cmpi eq, %get3A_175, %gather3A_184 : vector<16xi32>
          %select_n3A = arith.select %eq3A_188, %gather3A_187, %get3A_177 : vector<16xi1>, vector<16xf32>
          %add3A_189 = arith.constant 2 : i32
          %add3A_190 = vector.broadcast %add3A_189 : i32 to vector<16xi32>
          %add3A_191 = arith.addi %iota3A, %add3A_190 : vector<16xi32>
          %min3A_192 = arith.constant 15 : i32
          %min3A_193 = vector.broadcast %min3A_192 : i32 to vector<16xi32>
          %min3A_194 = arith.minsi %add3A_191, %min3A_193 : vector<16xi32>
          %reshape3A_195 = vector.shape_cast %min3A_194 : vector<16xi32> to vector<16x1xi32>
          %gather3A_196 = vector.shape_cast %reshape3A_195 : vector<16x1xi32> to vector<16xi32>
          %gather3A_197 = tpu.dynamic_gather %get3A_175[%gather3A_196] in [0] : vector<16xi32>, vector<16xi32> -> vector<16xi32>
          %reshape3A_198 = vector.shape_cast %min3A_194 : vector<16xi32> to vector<16x1xi32>
          %gather3A_199 = vector.shape_cast %reshape3A_198 : vector<16x1xi32> to vector<16xi32>
          %gather3A_200 = tpu.dynamic_gather %select_n3A[%gather3A_199] in [0] : vector<16xf32>, vector<16xi32> -> vector<16xf32>
          %eq3A_201 = arith.cmpi eq, %get3A_175, %gather3A_197 : vector<16xi32>
          %select_n3A_202 = arith.select %eq3A_201, %gather3A_200, %select_n3A : vector<16xi1>, vector<16xf32>
          %add3A_203 = arith.constant 4 : i32
          %add3A_204 = vector.broadcast %add3A_203 : i32 to vector<16xi32>
          %add3A_205 = arith.addi %iota3A, %add3A_204 : vector<16xi32>
          %min3A_206 = arith.constant 15 : i32
          %min3A_207 = vector.broadcast %min3A_206 : i32 to vector<16xi32>
          %min3A_208 = arith.minsi %add3A_205, %min3A_207 : vector<16xi32>
          %reshape3A_209 = vector.shape_cast %min3A_208 : vector<16xi32> to vector<16x1xi32>
          %gather3A_210 = vector.shape_cast %reshape3A_209 : vector<16x1xi32> to vector<16xi32>
          %gather3A_211 = tpu.dynamic_gather %get3A_175[%gather3A_210] in [0] : vector<16xi32>, vector<16xi32> -> vector<16xi32>
          %reshape3A_212 = vector.shape_cast %min3A_208 : vector<16xi32> to vector<16x1xi32>
          %gather3A_213 = vector.shape_cast %reshape3A_212 : vector<16x1xi32> to vector<16xi32>
          %gather3A_214 = tpu.dynamic_gather %select_n3A_202[%gather3A_213] in [0] : vector<16xf32>, vector<16xi32> -> vector<16xf32>
          %eq3A_215 = arith.cmpi eq, %get3A_175, %gather3A_211 : vector<16xi32>
          %select_n3A_216 = arith.select %eq3A_215, %gather3A_214, %select_n3A_202 : vector<16xi1>, vector<16xf32>
          %add3A_217 = arith.constant 8 : i32
          %add3A_218 = vector.broadcast %add3A_217 : i32 to vector<16xi32>
          %add3A_219 = arith.addi %iota3A, %add3A_218 : vector<16xi32>
          %min3A_220 = arith.constant 15 : i32
          %min3A_221 = vector.broadcast %min3A_220 : i32 to vector<16xi32>
          %min3A_222 = arith.minsi %add3A_219, %min3A_221 : vector<16xi32>
          %reshape3A_223 = vector.shape_cast %min3A_222 : vector<16xi32> to vector<16x1xi32>
          %gather3A_224 = vector.shape_cast %reshape3A_223 : vector<16x1xi32> to vector<16xi32>
          %gather3A_225 = tpu.dynamic_gather %get3A_175[%gather3A_224] in [0] : vector<16xi32>, vector<16xi32> -> vector<16xi32>
          %reshape3A_226 = vector.shape_cast %min3A_222 : vector<16xi32> to vector<16x1xi32>
          %gather3A_227 = vector.shape_cast %reshape3A_226 : vector<16x1xi32> to vector<16xi32>
          %gather3A_228 = tpu.dynamic_gather %select_n3A_216[%gather3A_227] in [0] : vector<16xf32>, vector<16xi32> -> vector<16xf32>
          %eq3A_229 = arith.cmpi eq, %get3A_175, %gather3A_225 : vector<16xi32>
          %select_n3A_230 = arith.select %eq3A_229, %gather3A_228, %select_n3A_216 : vector<16xi1>, vector<16xf32>
          %ge3A = vector.broadcast %add3A_103 : i32 to vector<16xi32>
          %ge3A_231 = arith.cmpi sge, %get3A_175, %ge3A : vector<16xi32>
          %lt3A = vector.broadcast %add3A_120 : i32 to vector<16xi32>
          %lt3A_232 = arith.cmpi slt, %get3A_175, %lt3A : vector<16xi32>
          %and3A_233 = arith.andi %ge3A_231, %lt3A_232 : vector<16xi1>
          %sub3A_234 = vector.broadcast %add3A_103 : i32 to vector<16xi32>
          %sub3A_235 = arith.subi %get3A_175, %sub3A_234 : vector<16xi32>
          %jit3A = arith.constant 0 : i32
          %jit3A_236 = arith.constant 47999 : i32
          %max3A = vector.broadcast %jit3A : i32 to vector<16xi32>
          %max3A_237 = arith.maxsi %max3A, %sub3A_235 : vector<16xi32>
          %min3A_238 = vector.broadcast %jit3A_236 : i32 to vector<16xi32>
          %min3A_239 = arith.minsi %min3A_238, %max3A_237 : vector<16xi32>
          tpu.vector_store_idx %arg6[%min3A_239], %select_n3A_230 masked %and3A_233 : memref<48000xf32, #tpu.memory_space<vmem>>[vector<16xi32>], vector<16xf32>, vector<16xi1>
          %lt3A_240 = vector.broadcast %add3A_120 : i32 to vector<16xi32>
          %lt3A_241 = arith.cmpi slt, %get3A_175, %lt3A_240 : vector<16xi32>
          %all_reduce_population_count3A = tpu.all_reduce %lt3A_241 {dim = 0 : i64, kind = #tpu.reduction_kind<sum>} : vector<16xi1> -> vector<16xi32>
          %reduce_max3A = arith.constant true
          %reduce_max3A_242 = vector.broadcast %reduce_max3A : i1 to vector<16xi1>
          %reduce_max3A_243 = arith.constant -2147483648 : i32
          %reduce_max3A_244 = vector.broadcast %reduce_max3A_243 : i32 to vector<16xi32>
          %reduce_max3A_245 = arith.xori %all_reduce_population_count3A, %reduce_max3A_244 : vector<16xi32>
          %reduce_max3A_246 = tpu.scan <max>, %reduce_max3A_245 masked %reduce_max3A_242 : vector<16xi32>, vector<16xi1> -> vector<16xi32>
          %reduce_max3A_247 = arith.xori %reduce_max3A_246, %reduce_max3A_244 : vector<16xi32>
          %reduce_max3A_248 = vector.extract %reduce_max3A_247[15] : i32 from vector<16xi32>
          %eq3A_249 = arith.constant 16 : i32
          %eq3A_250 = arith.cmpi eq, %reduce_max3A_248, %eq3A_249 : i32
          %add3A_251 = arith.constant 16 : i32
          %add3A_252 = arith.addi %while3A_170, %add3A_251 : i32
          %select_n3A_253 = arith.select %eq3A_250, %add3A_252, %while3A_170 : i32
          %not3A = arith.constant true
          %not3A_254 = arith.xori %eq3A_250, %not3A : i1
          %ge3A_255 = arith.constant 12800000 : i32
          %ge3A_256 = arith.cmpi sge, %select_n3A_253, %ge3A_255 : i32
          %or3A = arith.ori %not3A_254, %ge3A_256 : i1
          %not3A_257 = arith.constant true
          %not3A_258 = arith.xori %or3A, %not3A_257 : i1
          %sub3A_259 = arith.subi %select_n3A_253, %min3A_165 : i32
          %add3A_260 = arith.constant 16 : i32
          %add3A_261 = arith.addi %sub3A_259, %add3A_260 : i32
          %le3A = arith.constant 16384 : i32
          %le3A_262 = arith.cmpi sle, %add3A_261, %le3A : i32
          %and3A_263 = arith.andi %not3A_258, %le3A_262 : i1
          scf.yield %select_n3A_253, %or3A, %and3A_263 : i32, i1, i1
        }
        scf.yield %while3A_169#0, %while3A_169#1 : i32, i1
      }
      %multiple_of3A_123 = tpu.assume_multiple %add3A_103, 16 : i32
      %dma_start3A_124 = arith.constant 0 : i32
      %dma_start3A_125 = tpu.memref_slice %arg6[%dma_start3A_124] : memref<48000xf32, #tpu.memory_space<vmem>> -> memref<48000xf32, #tpu.memory_space<vmem>>
      %dma_start3A_126 = tpu.memref_slice %arg5[%multiple_of3A_123] : memref<51199232xf32, #tpu.memory_space<hbm>> -> memref<48000xf32, #tpu.memory_space<hbm>>
      %dma_start3A_127 = tpu.memref_slice %arg5[%multiple_of3A_123] : memref<51199232xf32, #tpu.memory_space<hbm>> -> memref<48000xf32, #tpu.memory_space<hbm>>
      %dma_start3A_128 = arith.constant 0 : i32
      %dma_start3A_129 = tpu.memref_slice %arg6[%dma_start3A_128] : memref<48000xf32, #tpu.memory_space<vmem>> -> memref<48000xf32, #tpu.memory_space<vmem>>
      tpu.enqueue_dma source(%dma_start3A_129 : memref<48000xf32, #tpu.memory_space<vmem>>) target(%dma_start3A_127 : memref<48000xf32, #tpu.memory_space<hbm>>) target_semaphore(%arg11 : memref<!tpu.dma_semaphore, #tpu.memory_space<semaphore_mem>>)
      %mul3A_130 = arith.constant 2 : i32
      %mul3A_131 = arith.muli %scan3A_97, %mul3A_130 : i32
      %add3A_132 = arith.constant 1 : i32
      %add3A_133 = arith.addi %mul3A_131, %add3A_132 : i32
      %mul3A_134 = arith.constant 48000 : i32
      %mul3A_135 = arith.muli %add3A_133, %mul3A_134 : i32
      %add3A_136 = arith.addi %mul3A_12, %mul3A_135 : i32
      %sub3A_137 = arith.constant 96000 : i32
      %sub3A_138 = arith.subi %add3A_136, %sub3A_137 : i32
      %multiple_of3A_139 = tpu.assume_multiple %sub3A_138, 16 : i32
      %dma_wait3A_140 = arith.constant 0 : i32
      %dma_wait3A_141 = tpu.memref_slice %arg7[%dma_wait3A_140] : memref<48000xf32, #tpu.memory_space<vmem>> -> memref<48000xf32, #tpu.memory_space<vmem>>
      %dma_wait3A_142 = tpu.memref_slice %arg5[%multiple_of3A_139] : memref<51199232xf32, #tpu.memory_space<hbm>> -> memref<48000xf32, #tpu.memory_space<hbm>>
      %dma_wait3A_143 = tpu.memref_slice %arg5[%multiple_of3A_139] : memref<51199232xf32, #tpu.memory_space<hbm>> -> memref<48000xf32, #tpu.memory_space<hbm>>
      %dma_wait3A_144 = arith.constant 0 : i32
      %dma_wait3A_145 = tpu.memref_slice %arg7[%dma_wait3A_144] : memref<48000xf32, #tpu.memory_space<vmem>> -> memref<48000xf32, #tpu.memory_space<vmem>>
      tpu.wait_dma2 semaphore(%arg12 : memref<!tpu.dma_semaphore, #tpu.memory_space<semaphore_mem>>) src(%dma_wait3A_145 : memref<48000xf32, #tpu.memory_space<vmem>>) dst(%dma_wait3A_143 : memref<48000xf32, #tpu.memory_space<hbm>>)
      %scan3A_146 = arith.constant 0 : i32
      %scan3A_147 = arith.constant 0 : i32
      %scan3A_148 = arith.constant 3000 : i32
      %scan3A_149 = arith.addi %scan3A_147, %scan3A_148 : i32
      %scan3A_150 = arith.constant 8 : i32
      scf.for %scan3A_163 = %scan3A_147 to %scan3A_149 step %scan3A_150  : i32 {
        %mul3A_164 = arith.constant 16 : i32
        %mul3A_165 = arith.muli %scan3A_163, %mul3A_164 : i32
        %swap3A = arith.index_cast %mul3A_165 : i32 to index
        %swap3A_166 = tpu.vector_load %arg7[%swap3A] {strides = array<i32>} : memref<48000xf32, #tpu.memory_space<vmem>>, vector<16xf32>,
        tpu.vector_store %arg7[%swap3A], %broadcast_in_dim3A_1 {strides = array<i32>} : memref<48000xf32, #tpu.memory_space<vmem>>, vector<16xf32>,
        %scan3A_167 = arith.constant 1 : i32
        %scan3A_168 = arith.addi %scan3A_163, %scan3A_167 : i32
        %mul3A_169 = arith.constant 16 : i32
        %mul3A_170 = arith.muli %scan3A_168, %mul3A_169 : i32
        %swap3A_171 = arith.index_cast %mul3A_170 : i32 to index
        %swap3A_172 = tpu.vector_load %arg7[%swap3A_171] {strides = array<i32>} : memref<48000xf32, #tpu.memory_space<vmem>>, vector<16xf32>,
        tpu.vector_store %arg7[%swap3A_171], %broadcast_in_dim3A_1 {strides = array<i32>} : memref<48000xf32, #tpu.memory_space<vmem>>, vector<16xf32>,
        %scan3A_173 = arith.constant 2 : i32
        %scan3A_174 = arith.addi %scan3A_163, %scan3A_173 : i32
        %mul3A_175 = arith.constant 16 : i32
        %mul3A_176 = arith.muli %scan3A_174, %mul3A_175 : i32
        %swap3A_177 = arith.index_cast %mul3A_176 : i32 to index
        %swap3A_178 = tpu.vector_load %arg7[%swap3A_177] {strides = array<i32>} : memref<48000xf32, #tpu.memory_space<vmem>>, vector<16xf32>,
        tpu.vector_store %arg7[%swap3A_177], %broadcast_in_dim3A_1 {strides = array<i32>} : memref<48000xf32, #tpu.memory_space<vmem>>, vector<16xf32>,
        %scan3A_179 = arith.constant 3 : i32
        %scan3A_180 = arith.addi %scan3A_163, %scan3A_179 : i32
        %mul3A_181 = arith.constant 16 : i32
        %mul3A_182 = arith.muli %scan3A_180, %mul3A_181 : i32
        %swap3A_183 = arith.index_cast %mul3A_182 : i32 to index
        %swap3A_184 = tpu.vector_load %arg7[%swap3A_183] {strides = array<i32>} : memref<48000xf32, #tpu.memory_space<vmem>>, vector<16xf32>,
        tpu.vector_store %arg7[%swap3A_183], %broadcast_in_dim3A_1 {strides = array<i32>} : memref<48000xf32, #tpu.memory_space<vmem>>, vector<16xf32>,
        %scan3A_185 = arith.constant 4 : i32
        %scan3A_186 = arith.addi %scan3A_163, %scan3A_185 : i32
        %mul3A_187 = arith.constant 16 : i32
        %mul3A_188 = arith.muli %scan3A_186, %mul3A_187 : i32
        %swap3A_189 = arith.index_cast %mul3A_188 : i32 to index
        %swap3A_190 = tpu.vector_load %arg7[%swap3A_189] {strides = array<i32>} : memref<48000xf32, #tpu.memory_space<vmem>>, vector<16xf32>,
        tpu.vector_store %arg7[%swap3A_189], %broadcast_in_dim3A_1 {strides = array<i32>} : memref<48000xf32, #tpu.memory_space<vmem>>, vector<16xf32>,
        %scan3A_191 = arith.constant 5 : i32
        %scan3A_192 = arith.addi %scan3A_163, %scan3A_191 : i32
        %mul3A_193 = arith.constant 16 : i32
        %mul3A_194 = arith.muli %scan3A_192, %mul3A_193 : i32
        %swap3A_195 = arith.index_cast %mul3A_194 : i32 to index
        %swap3A_196 = tpu.vector_load %arg7[%swap3A_195] {strides = array<i32>} : memref<48000xf32, #tpu.memory_space<vmem>>, vector<16xf32>,
        tpu.vector_store %arg7[%swap3A_195], %broadcast_in_dim3A_1 {strides = array<i32>} : memref<48000xf32, #tpu.memory_space<vmem>>, vector<16xf32>,
        %scan3A_197 = arith.constant 6 : i32
        %scan3A_198 = arith.addi %scan3A_163, %scan3A_197 : i32
        %mul3A_199 = arith.constant 16 : i32
        %mul3A_200 = arith.muli %scan3A_198, %mul3A_199 : i32
        %swap3A_201 = arith.index_cast %mul3A_200 : i32 to index
        %swap3A_202 = tpu.vector_load %arg7[%swap3A_201] {strides = array<i32>} : memref<48000xf32, #tpu.memory_space<vmem>>, vector<16xf32>,
        tpu.vector_store %arg7[%swap3A_201], %broadcast_in_dim3A_1 {strides = array<i32>} : memref<48000xf32, #tpu.memory_space<vmem>>, vector<16xf32>,
        %scan3A_203 = arith.constant 7 : i32
        %scan3A_204 = arith.addi %scan3A_163, %scan3A_203 : i32
        %mul3A_205 = arith.constant 16 : i32
        %mul3A_206 = arith.muli %scan3A_204, %mul3A_205 : i32
        %swap3A_207 = arith.index_cast %mul3A_206 : i32 to index
        %swap3A_208 = tpu.vector_load %arg7[%swap3A_207] {strides = array<i32>} : memref<48000xf32, #tpu.memory_space<vmem>>, vector<16xf32>,
        tpu.vector_store %arg7[%swap3A_207], %broadcast_in_dim3A_1 {strides = array<i32>} : memref<48000xf32, #tpu.memory_space<vmem>>, vector<16xf32>,
      }
      %scan3A_151 = arith.constant 3000 : i32
      %add3A_152 = arith.constant 48000 : i32
      %add3A_153 = arith.addi %add3A_136, %add3A_152 : i32
      %while3A_154 = arith.constant false
      %while3A_155:2 = scf.while (%while3A_163 = %while3A_122#0, %while3A_164 = %while3A_154) : (i32, i1) -> (i32, i1) {
        %not3A = arith.constant true
        %not3A_165 = arith.xori %while3A_164, %not3A : i1
        scf.condition(%not3A_165) %while3A_163, %while3A_164 : i32, i1
      } do {
      ^bb0(%while3A_163: i32, %while3A_164: i1):
        %min3A = arith.constant 12783616 : i32
        %min3A_165 = arith.minsi %while3A_163, %min3A : i32
        %multiple_of3A_166 = tpu.assume_multiple %min3A_165, 16 : i32
        "tpu.region"() ({
          %run_scoped3A = tpu.sem_alloc : memref<!tpu.dma_semaphore, #tpu.memory_space<semaphore_mem>>
          %dma_start3A_170 = tpu.memref_slice %arg2[%multiple_of3A_166] : memref<12800000xi32, #tpu.memory_space<hbm>> -> memref<16384xi32, #tpu.memory_space<hbm>>
          %dma_start3A_171 = tpu.memref_slice %arg2[%multiple_of3A_166] : memref<12800000xi32, #tpu.memory_space<hbm>> -> memref<16384xi32, #tpu.memory_space<hbm>>
          tpu.enqueue_dma source(%dma_start3A_171 : memref<16384xi32, #tpu.memory_space<hbm>>) target(%arg8 : memref<16384xi32, #tpu.memory_space<vmem>>) target_semaphore(%run_scoped3A : memref<!tpu.dma_semaphore, #tpu.memory_space<semaphore_mem>>)
          %dma_wait3A_172 = tpu.memref_slice %arg2[%multiple_of3A_166] : memref<12800000xi32, #tpu.memory_space<hbm>> -> memref<16384xi32, #tpu.memory_space<hbm>>
          %dma_wait3A_173 = tpu.memref_slice %arg2[%multiple_of3A_166] : memref<12800000xi32, #tpu.memory_space<hbm>> -> memref<16384xi32, #tpu.memory_space<hbm>>
          tpu.wait_dma2 semaphore(%run_scoped3A : memref<!tpu.dma_semaphore, #tpu.memory_space<semaphore_mem>>) src(%dma_wait3A_173 : memref<16384xi32, #tpu.memory_space<hbm>>) dst(%arg8 : memref<16384xi32, #tpu.memory_space<vmem>>)
          tpu.yield
        }) : () -> ()
        "tpu.region"() ({
          %run_scoped3A = tpu.sem_alloc : memref<!tpu.dma_semaphore, #tpu.memory_space<semaphore_mem>>
          %dma_start3A_170 = tpu.memref_slice %arg3[%multiple_of3A_166] : memref<12800000xf32, #tpu.memory_space<hbm>> -> memref<16384xf32, #tpu.memory_space<hbm>>
          %dma_start3A_171 = tpu.memref_slice %arg3[%multiple_of3A_166] : memref<12800000xf32, #tpu.memory_space<hbm>> -> memref<16384xf32, #tpu.memory_space<hbm>>
          tpu.enqueue_dma source(%dma_start3A_171 : memref<16384xf32, #tpu.memory_space<hbm>>) target(%arg9 : memref<16384xf32, #tpu.memory_space<vmem>>) target_semaphore(%run_scoped3A : memref<!tpu.dma_semaphore, #tpu.memory_space<semaphore_mem>>)
          %dma_wait3A_172 = tpu.memref_slice %arg3[%multiple_of3A_166] : memref<12800000xf32, #tpu.memory_space<hbm>> -> memref<16384xf32, #tpu.memory_space<hbm>>
          %dma_wait3A_173 = tpu.memref_slice %arg3[%multiple_of3A_166] : memref<12800000xf32, #tpu.memory_space<hbm>> -> memref<16384xf32, #tpu.memory_space<hbm>>
          tpu.wait_dma2 semaphore(%run_scoped3A : memref<!tpu.dma_semaphore, #tpu.memory_space<semaphore_mem>>) src(%dma_wait3A_173 : memref<16384xf32, #tpu.memory_space<hbm>>) dst(%arg9 : memref<16384xf32, #tpu.memory_space<vmem>>)
          tpu.yield
        }) : () -> ()
        %while3A_167 = arith.constant false
        %while3A_168 = arith.constant true
        %while3A_169:3 = scf.while (%while3A_170 = %while3A_163, %while3A_171 = %while3A_167, %while3A_172 = %while3A_168) : (i32, i1, i1) -> (i32, i1, i1) {
          scf.condition(%while3A_172) %while3A_170, %while3A_171, %while3A_172 : i32, i1, i1
        } do {
        ^bb0(%while3A_170: i32, %while3A_171: i1, %while3A_172: i1):
          %sub3A_173 = arith.subi %while3A_170, %min3A_165 : i32
          %get3A_174 = arith.index_cast %sub3A_173 : i32 to index
          %get3A_175 = tpu.vector_load %arg8[%get3A_174] {strides = array<i32>} : memref<16384xi32, #tpu.memory_space<vmem>>, vector<16xi32>,
          %get3A_176 = arith.index_cast %sub3A_173 : i32 to index
          %get3A_177 = tpu.vector_load %arg9[%get3A_176] {strides = array<i32>} : memref<16384xf32, #tpu.memory_space<vmem>>, vector<16xf32>,
          %add3A_178 = arith.constant 1 : i32
          %add3A_179 = vector.broadcast %add3A_178 : i32 to vector<16xi32>
          %add3A_180 = arith.addi %iota3A, %add3A_179 : vector<16xi32>
          %min3A_181 = arith.constant 15 : i32
          %min3A_182 = vector.broadcast %min3A_181 : i32 to vector<16xi32>
          %min3A_183 = arith.minsi %add3A_180, %min3A_182 : vector<16xi32>
          %reshape3A = vector.shape_cast %min3A_183 : vector<16xi32> to vector<16x1xi32>
          %gather3A = vector.shape_cast %reshape3A : vector<16x1xi32> to vector<16xi32>
          %gather3A_184 = tpu.dynamic_gather %get3A_175[%gather3A] in [0] : vector<16xi32>, vector<16xi32> -> vector<16xi32>
          %reshape3A_185 = vector.shape_cast %min3A_183 : vector<16xi32> to vector<16x1xi32>
          %gather3A_186 = vector.shape_cast %reshape3A_185 : vector<16x1xi32> to vector<16xi32>
          %gather3A_187 = tpu.dynamic_gather %get3A_177[%gather3A_186] in [0] : vector<16xf32>, vector<16xi32> -> vector<16xf32>
          %eq3A_188 = arith.cmpi eq, %get3A_175, %gather3A_184 : vector<16xi32>
          %select_n3A = arith.select %eq3A_188, %gather3A_187, %get3A_177 : vector<16xi1>, vector<16xf32>
          %add3A_189 = arith.constant 2 : i32
          %add3A_190 = vector.broadcast %add3A_189 : i32 to vector<16xi32>
          %add3A_191 = arith.addi %iota3A, %add3A_190 : vector<16xi32>
          %min3A_192 = arith.constant 15 : i32
          %min3A_193 = vector.broadcast %min3A_192 : i32 to vector<16xi32>
          %min3A_194 = arith.minsi %add3A_191, %min3A_193 : vector<16xi32>
          %reshape3A_195 = vector.shape_cast %min3A_194 : vector<16xi32> to vector<16x1xi32>
          %gather3A_196 = vector.shape_cast %reshape3A_195 : vector<16x1xi32> to vector<16xi32>
          %gather3A_197 = tpu.dynamic_gather %get3A_175[%gather3A_196] in [0] : vector<16xi32>, vector<16xi32> -> vector<16xi32>
          %reshape3A_198 = vector.shape_cast %min3A_194 : vector<16xi32> to vector<16x1xi32>
          %gather3A_199 = vector.shape_cast %reshape3A_198 : vector<16x1xi32> to vector<16xi32>
          %gather3A_200 = tpu.dynamic_gather %select_n3A[%gather3A_199] in [0] : vector<16xf32>, vector<16xi32> -> vector<16xf32>
          %eq3A_201 = arith.cmpi eq, %get3A_175, %gather3A_197 : vector<16xi32>
          %select_n3A_202 = arith.select %eq3A_201, %gather3A_200, %select_n3A : vector<16xi1>, vector<16xf32>
          %add3A_203 = arith.constant 4 : i32
          %add3A_204 = vector.broadcast %add3A_203 : i32 to vector<16xi32>
          %add3A_205 = arith.addi %iota3A, %add3A_204 : vector<16xi32>
          %min3A_206 = arith.constant 15 : i32
          %min3A_207 = vector.broadcast %min3A_206 : i32 to vector<16xi32>
          %min3A_208 = arith.minsi %add3A_205, %min3A_207 : vector<16xi32>
          %reshape3A_209 = vector.shape_cast %min3A_208 : vector<16xi32> to vector<16x1xi32>
          %gather3A_210 = vector.shape_cast %reshape3A_209 : vector<16x1xi32> to vector<16xi32>
          %gather3A_211 = tpu.dynamic_gather %get3A_175[%gather3A_210] in [0] : vector<16xi32>, vector<16xi32> -> vector<16xi32>
          %reshape3A_212 = vector.shape_cast %min3A_208 : vector<16xi32> to vector<16x1xi32>
          %gather3A_213 = vector.shape_cast %reshape3A_212 : vector<16x1xi32> to vector<16xi32>
          %gather3A_214 = tpu.dynamic_gather %select_n3A_202[%gather3A_213] in [0] : vector<16xf32>, vector<16xi32> -> vector<16xf32>
          %eq3A_215 = arith.cmpi eq, %get3A_175, %gather3A_211 : vector<16xi32>
          %select_n3A_216 = arith.select %eq3A_215, %gather3A_214, %select_n3A_202 : vector<16xi1>, vector<16xf32>
          %add3A_217 = arith.constant 8 : i32
          %add3A_218 = vector.broadcast %add3A_217 : i32 to vector<16xi32>
          %add3A_219 = arith.addi %iota3A, %add3A_218 : vector<16xi32>
          %min3A_220 = arith.constant 15 : i32
          %min3A_221 = vector.broadcast %min3A_220 : i32 to vector<16xi32>
          %min3A_222 = arith.minsi %add3A_219, %min3A_221 : vector<16xi32>
          %reshape3A_223 = vector.shape_cast %min3A_222 : vector<16xi32> to vector<16x1xi32>
          %gather3A_224 = vector.shape_cast %reshape3A_223 : vector<16x1xi32> to vector<16xi32>
          %gather3A_225 = tpu.dynamic_gather %get3A_175[%gather3A_224] in [0] : vector<16xi32>, vector<16xi32> -> vector<16xi32>
          %reshape3A_226 = vector.shape_cast %min3A_222 : vector<16xi32> to vector<16x1xi32>
          %gather3A_227 = vector.shape_cast %reshape3A_226 : vector<16x1xi32> to vector<16xi32>
          %gather3A_228 = tpu.dynamic_gather %select_n3A_216[%gather3A_227] in [0] : vector<16xf32>, vector<16xi32> -> vector<16xf32>
          %eq3A_229 = arith.cmpi eq, %get3A_175, %gather3A_225 : vector<16xi32>
          %select_n3A_230 = arith.select %eq3A_229, %gather3A_228, %select_n3A_216 : vector<16xi1>, vector<16xf32>
          %ge3A = vector.broadcast %add3A_136 : i32 to vector<16xi32>
          %ge3A_231 = arith.cmpi sge, %get3A_175, %ge3A : vector<16xi32>
          %lt3A = vector.broadcast %add3A_153 : i32 to vector<16xi32>
          %lt3A_232 = arith.cmpi slt, %get3A_175, %lt3A : vector<16xi32>
          %and3A_233 = arith.andi %ge3A_231, %lt3A_232 : vector<16xi1>
          %sub3A_234 = vector.broadcast %add3A_136 : i32 to vector<16xi32>
          %sub3A_235 = arith.subi %get3A_175, %sub3A_234 : vector<16xi32>
          %jit3A = arith.constant 0 : i32
          %jit3A_236 = arith.constant 47999 : i32
          %max3A = vector.broadcast %jit3A : i32 to vector<16xi32>
          %max3A_237 = arith.maxsi %max3A, %sub3A_235 : vector<16xi32>
          %min3A_238 = vector.broadcast %jit3A_236 : i32 to vector<16xi32>
          %min3A_239 = arith.minsi %min3A_238, %max3A_237 : vector<16xi32>
          tpu.vector_store_idx %arg7[%min3A_239], %select_n3A_230 masked %and3A_233 : memref<48000xf32, #tpu.memory_space<vmem>>[vector<16xi32>], vector<16xf32>, vector<16xi1>
          %lt3A_240 = vector.broadcast %add3A_153 : i32 to vector<16xi32>
          %lt3A_241 = arith.cmpi slt, %get3A_175, %lt3A_240 : vector<16xi32>
          %all_reduce_population_count3A = tpu.all_reduce %lt3A_241 {dim = 0 : i64, kind = #tpu.reduction_kind<sum>} : vector<16xi1> -> vector<16xi32>
          %reduce_max3A = arith.constant true
          %reduce_max3A_242 = vector.broadcast %reduce_max3A : i1 to vector<16xi1>
          %reduce_max3A_243 = arith.constant -2147483648 : i32
          %reduce_max3A_244 = vector.broadcast %reduce_max3A_243 : i32 to vector<16xi32>
          %reduce_max3A_245 = arith.xori %all_reduce_population_count3A, %reduce_max3A_244 : vector<16xi32>
          %reduce_max3A_246 = tpu.scan <max>, %reduce_max3A_245 masked %reduce_max3A_242 : vector<16xi32>, vector<16xi1> -> vector<16xi32>
          %reduce_max3A_247 = arith.xori %reduce_max3A_246, %reduce_max3A_244 : vector<16xi32>
          %reduce_max3A_248 = vector.extract %reduce_max3A_247[15] : i32 from vector<16xi32>
          %eq3A_249 = arith.constant 16 : i32
          %eq3A_250 = arith.cmpi eq, %reduce_max3A_248, %eq3A_249 : i32
          %add3A_251 = arith.constant 16 : i32
          %add3A_252 = arith.addi %while3A_170, %add3A_251 : i32
          %select_n3A_253 = arith.select %eq3A_250, %add3A_252, %while3A_170 : i32
          %not3A = arith.constant true
          %not3A_254 = arith.xori %eq3A_250, %not3A : i1
          %ge3A_255 = arith.constant 12800000 : i32
          %ge3A_256 = arith.cmpi sge, %select_n3A_253, %ge3A_255 : i32
          %or3A = arith.ori %not3A_254, %ge3A_256 : i1
          %not3A_257 = arith.constant true
          %not3A_258 = arith.xori %or3A, %not3A_257 : i1
          %sub3A_259 = arith.subi %select_n3A_253, %min3A_165 : i32
          %add3A_260 = arith.constant 16 : i32
          %add3A_261 = arith.addi %sub3A_259, %add3A_260 : i32
          %le3A = arith.constant 16384 : i32
          %le3A_262 = arith.cmpi sle, %add3A_261, %le3A : i32
          %and3A_263 = arith.andi %not3A_258, %le3A_262 : i1
          scf.yield %select_n3A_253, %or3A, %and3A_263 : i32, i1, i1
        }
        scf.yield %while3A_169#0, %while3A_169#1 : i32, i1
      }
      %multiple_of3A_156 = tpu.assume_multiple %add3A_136, 16 : i32
      %dma_start3A_157 = arith.constant 0 : i32
      %dma_start3A_158 = tpu.memref_slice %arg7[%dma_start3A_157] : memref<48000xf32, #tpu.memory_space<vmem>> -> memref<48000xf32, #tpu.memory_space<vmem>>
      %dma_start3A_159 = tpu.memref_slice %arg5[%multiple_of3A_156] : memref<51199232xf32, #tpu.memory_space<hbm>> -> memref<48000xf32, #tpu.memory_space<hbm>>
      %dma_start3A_160 = tpu.memref_slice %arg5[%multiple_of3A_156] : memref<51199232xf32, #tpu.memory_space<hbm>> -> memref<48000xf32, #tpu.memory_space<hbm>>
      %dma_start3A_161 = arith.constant 0 : i32
      %dma_start3A_162 = tpu.memref_slice %arg7[%dma_start3A_161] : memref<48000xf32, #tpu.memory_space<vmem>> -> memref<48000xf32, #tpu.memory_space<vmem>>
      tpu.enqueue_dma source(%dma_start3A_162 : memref<48000xf32, #tpu.memory_space<vmem>>) target(%dma_start3A_160 : memref<48000xf32, #tpu.memory_space<hbm>>) target_semaphore(%arg12 : memref<!tpu.dma_semaphore, #tpu.memory_space<semaphore_mem>>)
      scf.yield %while3A_155#0 : i32
    }
    %scan3A_52 = arith.constant 15 : i32
    %add3A_53 = arith.constant 1536000 : i32
    %add3A_54 = arith.addi %mul3A_12, %add3A_53 : i32
    %sub3A_55 = arith.constant 96000 : i32
    %sub3A_56 = arith.subi %add3A_54, %sub3A_55 : i32
    %multiple_of3A_57 = tpu.assume_multiple %sub3A_56, 16 : i32
    %dma_wait3A = arith.constant 0 : i32
    %dma_wait3A_58 = tpu.memref_slice %arg6[%dma_wait3A] : memref<48000xf32, #tpu.memory_space<vmem>> -> memref<48000xf32, #tpu.memory_space<vmem>>
    %dma_wait3A_59 = tpu.memref_slice %arg5[%multiple_of3A_57] : memref<51199232xf32, #tpu.memory_space<hbm>> -> memref<48000xf32, #tpu.memory_space<hbm>>
    %dma_wait3A_60 = tpu.memref_slice %arg5[%multiple_of3A_57] : memref<51199232xf32, #tpu.memory_space<hbm>> -> memref<48000xf32, #tpu.memory_space<hbm>>
    %dma_wait3A_61 = arith.constant 0 : i32
    %dma_wait3A_62 = tpu.memref_slice %arg6[%dma_wait3A_61] : memref<48000xf32, #tpu.memory_space<vmem>> -> memref<48000xf32, #tpu.memory_space<vmem>>
    tpu.wait_dma2 semaphore(%arg11 : memref<!tpu.dma_semaphore, #tpu.memory_space<semaphore_mem>>) src(%dma_wait3A_62 : memref<48000xf32, #tpu.memory_space<vmem>>) dst(%dma_wait3A_60 : memref<48000xf32, #tpu.memory_space<hbm>>)
    %scan3A_63 = arith.constant 0 : i32
    %scan3A_64 = arith.constant 0 : i32
    %scan3A_65 = arith.constant 3000 : i32
    %scan3A_66 = arith.addi %scan3A_64, %scan3A_65 : i32
    %scan3A_67 = arith.constant 8 : i32
    scf.for %scan3A_97 = %scan3A_64 to %scan3A_66 step %scan3A_67  : i32 {
      %mul3A_98 = arith.constant 16 : i32
      %mul3A_99 = arith.muli %scan3A_97, %mul3A_98 : i32
      %swap3A = arith.index_cast %mul3A_99 : i32 to index
      %swap3A_100 = tpu.vector_load %arg6[%swap3A] {strides = array<i32>} : memref<48000xf32, #tpu.memory_space<vmem>>, vector<16xf32>,
      tpu.vector_store %arg6[%swap3A], %broadcast_in_dim3A_1 {strides = array<i32>} : memref<48000xf32, #tpu.memory_space<vmem>>, vector<16xf32>,
      %scan3A_101 = arith.constant 1 : i32
      %scan3A_102 = arith.addi %scan3A_97, %scan3A_101 : i32
      %mul3A_103 = arith.constant 16 : i32
      %mul3A_104 = arith.muli %scan3A_102, %mul3A_103 : i32
      %swap3A_105 = arith.index_cast %mul3A_104 : i32 to index
      %swap3A_106 = tpu.vector_load %arg6[%swap3A_105] {strides = array<i32>} : memref<48000xf32, #tpu.memory_space<vmem>>, vector<16xf32>,
      tpu.vector_store %arg6[%swap3A_105], %broadcast_in_dim3A_1 {strides = array<i32>} : memref<48000xf32, #tpu.memory_space<vmem>>, vector<16xf32>,
      %scan3A_107 = arith.constant 2 : i32
      %scan3A_108 = arith.addi %scan3A_97, %scan3A_107 : i32
      %mul3A_109 = arith.constant 16 : i32
      %mul3A_110 = arith.muli %scan3A_108, %mul3A_109 : i32
      %swap3A_111 = arith.index_cast %mul3A_110 : i32 to index
      %swap3A_112 = tpu.vector_load %arg6[%swap3A_111] {strides = array<i32>} : memref<48000xf32, #tpu.memory_space<vmem>>, vector<16xf32>,
      tpu.vector_store %arg6[%swap3A_111], %broadcast_in_dim3A_1 {strides = array<i32>} : memref<48000xf32, #tpu.memory_space<vmem>>, vector<16xf32>,
      %scan3A_113 = arith.constant 3 : i32
      %scan3A_114 = arith.addi %scan3A_97, %scan3A_113 : i32
      %mul3A_115 = arith.constant 16 : i32
      %mul3A_116 = arith.muli %scan3A_114, %mul3A_115 : i32
      %swap3A_117 = arith.index_cast %mul3A_116 : i32 to index
      %swap3A_118 = tpu.vector_load %arg6[%swap3A_117] {strides = array<i32>} : memref<48000xf32, #tpu.memory_space<vmem>>, vector<16xf32>,
      tpu.vector_store %arg6[%swap3A_117], %broadcast_in_dim3A_1 {strides = array<i32>} : memref<48000xf32, #tpu.memory_space<vmem>>, vector<16xf32>,
      %scan3A_119 = arith.constant 4 : i32
      %scan3A_120 = arith.addi %scan3A_97, %scan3A_119 : i32
      %mul3A_121 = arith.constant 16 : i32
      %mul3A_122 = arith.muli %scan3A_120, %mul3A_121 : i32
      %swap3A_123 = arith.index_cast %mul3A_122 : i32 to index
      %swap3A_124 = tpu.vector_load %arg6[%swap3A_123] {strides = array<i32>} : memref<48000xf32, #tpu.memory_space<vmem>>, vector<16xf32>,
      tpu.vector_store %arg6[%swap3A_123], %broadcast_in_dim3A_1 {strides = array<i32>} : memref<48000xf32, #tpu.memory_space<vmem>>, vector<16xf32>,
      %scan3A_125 = arith.constant 5 : i32
      %scan3A_126 = arith.addi %scan3A_97, %scan3A_125 : i32
      %mul3A_127 = arith.constant 16 : i32
      %mul3A_128 = arith.muli %scan3A_126, %mul3A_127 : i32
      %swap3A_129 = arith.index_cast %mul3A_128 : i32 to index
      %swap3A_130 = tpu.vector_load %arg6[%swap3A_129] {strides = array<i32>} : memref<48000xf32, #tpu.memory_space<vmem>>, vector<16xf32>,
      tpu.vector_store %arg6[%swap3A_129], %broadcast_in_dim3A_1 {strides = array<i32>} : memref<48000xf32, #tpu.memory_space<vmem>>, vector<16xf32>,
      %scan3A_131 = arith.constant 6 : i32
      %scan3A_132 = arith.addi %scan3A_97, %scan3A_131 : i32
      %mul3A_133 = arith.constant 16 : i32
      %mul3A_134 = arith.muli %scan3A_132, %mul3A_133 : i32
      %swap3A_135 = arith.index_cast %mul3A_134 : i32 to index
      %swap3A_136 = tpu.vector_load %arg6[%swap3A_135] {strides = array<i32>} : memref<48000xf32, #tpu.memory_space<vmem>>, vector<16xf32>,
      tpu.vector_store %arg6[%swap3A_135], %broadcast_in_dim3A_1 {strides = array<i32>} : memref<48000xf32, #tpu.memory_space<vmem>>, vector<16xf32>,
      %scan3A_137 = arith.constant 7 : i32
      %scan3A_138 = arith.addi %scan3A_97, %scan3A_137 : i32
      %mul3A_139 = arith.constant 16 : i32
      %mul3A_140 = arith.muli %scan3A_138, %mul3A_139 : i32
      %swap3A_141 = arith.index_cast %mul3A_140 : i32 to index
      %swap3A_142 = tpu.vector_load %arg6[%swap3A_141] {strides = array<i32>} : memref<48000xf32, #tpu.memory_space<vmem>>, vector<16xf32>,
      tpu.vector_store %arg6[%swap3A_141], %broadcast_in_dim3A_1 {strides = array<i32>} : memref<48000xf32, #tpu.memory_space<vmem>>, vector<16xf32>,
    }
    %scan3A_68 = arith.constant 3000 : i32
    %add3A_69 = arith.constant 48000 : i32
    %add3A_70 = arith.addi %add3A_54, %add3A_69 : i32
    %while3A_71 = arith.constant false
    %while3A_72:2 = scf.while (%while3A_97 = %scan3A_51, %while3A_98 = %while3A_71) : (i32, i1) -> (i32, i1) {
      %not3A = arith.constant true
      %not3A_99 = arith.xori %while3A_98, %not3A : i1
      scf.condition(%not3A_99) %while3A_97, %while3A_98 : i32, i1
    } do {
    ^bb0(%while3A_97: i32, %while3A_98: i1):
      %min3A = arith.constant 12783616 : i32
      %min3A_99 = arith.minsi %while3A_97, %min3A : i32
      %multiple_of3A_100 = tpu.assume_multiple %min3A_99, 16 : i32
      "tpu.region"() ({
        %run_scoped3A = tpu.sem_alloc : memref<!tpu.dma_semaphore, #tpu.memory_space<semaphore_mem>>
        %dma_start3A_104 = tpu.memref_slice %arg2[%multiple_of3A_100] : memref<12800000xi32, #tpu.memory_space<hbm>> -> memref<16384xi32, #tpu.memory_space<hbm>>
        %dma_start3A_105 = tpu.memref_slice %arg2[%multiple_of3A_100] : memref<12800000xi32, #tpu.memory_space<hbm>> -> memref<16384xi32, #tpu.memory_space<hbm>>
        tpu.enqueue_dma source(%dma_start3A_105 : memref<16384xi32, #tpu.memory_space<hbm>>) target(%arg8 : memref<16384xi32, #tpu.memory_space<vmem>>) target_semaphore(%run_scoped3A : memref<!tpu.dma_semaphore, #tpu.memory_space<semaphore_mem>>)
        %dma_wait3A_106 = tpu.memref_slice %arg2[%multiple_of3A_100] : memref<12800000xi32, #tpu.memory_space<hbm>> -> memref<16384xi32, #tpu.memory_space<hbm>>
        %dma_wait3A_107 = tpu.memref_slice %arg2[%multiple_of3A_100] : memref<12800000xi32, #tpu.memory_space<hbm>> -> memref<16384xi32, #tpu.memory_space<hbm>>
        tpu.wait_dma2 semaphore(%run_scoped3A : memref<!tpu.dma_semaphore, #tpu.memory_space<semaphore_mem>>) src(%dma_wait3A_107 : memref<16384xi32, #tpu.memory_space<hbm>>) dst(%arg8 : memref<16384xi32, #tpu.memory_space<vmem>>)
        tpu.yield
      }) : () -> ()
      "tpu.region"() ({
        %run_scoped3A = tpu.sem_alloc : memref<!tpu.dma_semaphore, #tpu.memory_space<semaphore_mem>>
        %dma_start3A_104 = tpu.memref_slice %arg3[%multiple_of3A_100] : memref<12800000xf32, #tpu.memory_space<hbm>> -> memref<16384xf32, #tpu.memory_space<hbm>>
        %dma_start3A_105 = tpu.memref_slice %arg3[%multiple_of3A_100] : memref<12800000xf32, #tpu.memory_space<hbm>> -> memref<16384xf32, #tpu.memory_space<hbm>>
        tpu.enqueue_dma source(%dma_start3A_105 : memref<16384xf32, #tpu.memory_space<hbm>>) target(%arg9 : memref<16384xf32, #tpu.memory_space<vmem>>) target_semaphore(%run_scoped3A : memref<!tpu.dma_semaphore, #tpu.memory_space<semaphore_mem>>)
        %dma_wait3A_106 = tpu.memref_slice %arg3[%multiple_of3A_100] : memref<12800000xf32, #tpu.memory_space<hbm>> -> memref<16384xf32, #tpu.memory_space<hbm>>
        %dma_wait3A_107 = tpu.memref_slice %arg3[%multiple_of3A_100] : memref<12800000xf32, #tpu.memory_space<hbm>> -> memref<16384xf32, #tpu.memory_space<hbm>>
        tpu.wait_dma2 semaphore(%run_scoped3A : memref<!tpu.dma_semaphore, #tpu.memory_space<semaphore_mem>>) src(%dma_wait3A_107 : memref<16384xf32, #tpu.memory_space<hbm>>) dst(%arg9 : memref<16384xf32, #tpu.memory_space<vmem>>)
        tpu.yield
      }) : () -> ()
      %while3A_101 = arith.constant false
      %while3A_102 = arith.constant true
      %while3A_103:3 = scf.while (%while3A_104 = %while3A_97, %while3A_105 = %while3A_101, %while3A_106 = %while3A_102) : (i32, i1, i1) -> (i32, i1, i1) {
        scf.condition(%while3A_106) %while3A_104, %while3A_105, %while3A_106 : i32, i1, i1
      } do {
      ^bb0(%while3A_104: i32, %while3A_105: i1, %while3A_106: i1):
        %sub3A_107 = arith.subi %while3A_104, %min3A_99 : i32
        %get3A_108 = arith.index_cast %sub3A_107 : i32 to index
        %get3A_109 = tpu.vector_load %arg8[%get3A_108] {strides = array<i32>} : memref<16384xi32, #tpu.memory_space<vmem>>, vector<16xi32>,
        %get3A_110 = arith.index_cast %sub3A_107 : i32 to index
        %get3A_111 = tpu.vector_load %arg9[%get3A_110] {strides = array<i32>} : memref<16384xf32, #tpu.memory_space<vmem>>, vector<16xf32>,
        %add3A_112 = arith.constant 1 : i32
        %add3A_113 = vector.broadcast %add3A_112 : i32 to vector<16xi32>
        %add3A_114 = arith.addi %iota3A, %add3A_113 : vector<16xi32>
        %min3A_115 = arith.constant 15 : i32
        %min3A_116 = vector.broadcast %min3A_115 : i32 to vector<16xi32>
        %min3A_117 = arith.minsi %add3A_114, %min3A_116 : vector<16xi32>
        %reshape3A = vector.shape_cast %min3A_117 : vector<16xi32> to vector<16x1xi32>
        %gather3A = vector.shape_cast %reshape3A : vector<16x1xi32> to vector<16xi32>
        %gather3A_118 = tpu.dynamic_gather %get3A_109[%gather3A] in [0] : vector<16xi32>, vector<16xi32> -> vector<16xi32>
        %reshape3A_119 = vector.shape_cast %min3A_117 : vector<16xi32> to vector<16x1xi32>
        %gather3A_120 = vector.shape_cast %reshape3A_119 : vector<16x1xi32> to vector<16xi32>
        %gather3A_121 = tpu.dynamic_gather %get3A_111[%gather3A_120] in [0] : vector<16xf32>, vector<16xi32> -> vector<16xf32>
        %eq3A_122 = arith.cmpi eq, %get3A_109, %gather3A_118 : vector<16xi32>
        %select_n3A = arith.select %eq3A_122, %gather3A_121, %get3A_111 : vector<16xi1>, vector<16xf32>
        %add3A_123 = arith.constant 2 : i32
        %add3A_124 = vector.broadcast %add3A_123 : i32 to vector<16xi32>
        %add3A_125 = arith.addi %iota3A, %add3A_124 : vector<16xi32>
        %min3A_126 = arith.constant 15 : i32
        %min3A_127 = vector.broadcast %min3A_126 : i32 to vector<16xi32>
        %min3A_128 = arith.minsi %add3A_125, %min3A_127 : vector<16xi32>
        %reshape3A_129 = vector.shape_cast %min3A_128 : vector<16xi32> to vector<16x1xi32>
        %gather3A_130 = vector.shape_cast %reshape3A_129 : vector<16x1xi32> to vector<16xi32>
        %gather3A_131 = tpu.dynamic_gather %get3A_109[%gather3A_130] in [0] : vector<16xi32>, vector<16xi32> -> vector<16xi32>
        %reshape3A_132 = vector.shape_cast %min3A_128 : vector<16xi32> to vector<16x1xi32>
        %gather3A_133 = vector.shape_cast %reshape3A_132 : vector<16x1xi32> to vector<16xi32>
        %gather3A_134 = tpu.dynamic_gather %select_n3A[%gather3A_133] in [0] : vector<16xf32>, vector<16xi32> -> vector<16xf32>
        %eq3A_135 = arith.cmpi eq, %get3A_109, %gather3A_131 : vector<16xi32>
        %select_n3A_136 = arith.select %eq3A_135, %gather3A_134, %select_n3A : vector<16xi1>, vector<16xf32>
        %add3A_137 = arith.constant 4 : i32
        %add3A_138 = vector.broadcast %add3A_137 : i32 to vector<16xi32>
        %add3A_139 = arith.addi %iota3A, %add3A_138 : vector<16xi32>
        %min3A_140 = arith.constant 15 : i32
        %min3A_141 = vector.broadcast %min3A_140 : i32 to vector<16xi32>
        %min3A_142 = arith.minsi %add3A_139, %min3A_141 : vector<16xi32>
        %reshape3A_143 = vector.shape_cast %min3A_142 : vector<16xi32> to vector<16x1xi32>
        %gather3A_144 = vector.shape_cast %reshape3A_143 : vector<16x1xi32> to vector<16xi32>
        %gather3A_145 = tpu.dynamic_gather %get3A_109[%gather3A_144] in [0] : vector<16xi32>, vector<16xi32> -> vector<16xi32>
        %reshape3A_146 = vector.shape_cast %min3A_142 : vector<16xi32> to vector<16x1xi32>
        %gather3A_147 = vector.shape_cast %reshape3A_146 : vector<16x1xi32> to vector<16xi32>
        %gather3A_148 = tpu.dynamic_gather %select_n3A_136[%gather3A_147] in [0] : vector<16xf32>, vector<16xi32> -> vector<16xf32>
        %eq3A_149 = arith.cmpi eq, %get3A_109, %gather3A_145 : vector<16xi32>
        %select_n3A_150 = arith.select %eq3A_149, %gather3A_148, %select_n3A_136 : vector<16xi1>, vector<16xf32>
        %add3A_151 = arith.constant 8 : i32
        %add3A_152 = vector.broadcast %add3A_151 : i32 to vector<16xi32>
        %add3A_153 = arith.addi %iota3A, %add3A_152 : vector<16xi32>
        %min3A_154 = arith.constant 15 : i32
        %min3A_155 = vector.broadcast %min3A_154 : i32 to vector<16xi32>
        %min3A_156 = arith.minsi %add3A_153, %min3A_155 : vector<16xi32>
        %reshape3A_157 = vector.shape_cast %min3A_156 : vector<16xi32> to vector<16x1xi32>
        %gather3A_158 = vector.shape_cast %reshape3A_157 : vector<16x1xi32> to vector<16xi32>
        %gather3A_159 = tpu.dynamic_gather %get3A_109[%gather3A_158] in [0] : vector<16xi32>, vector<16xi32> -> vector<16xi32>
        %reshape3A_160 = vector.shape_cast %min3A_156 : vector<16xi32> to vector<16x1xi32>
        %gather3A_161 = vector.shape_cast %reshape3A_160 : vector<16x1xi32> to vector<16xi32>
        %gather3A_162 = tpu.dynamic_gather %select_n3A_150[%gather3A_161] in [0] : vector<16xf32>, vector<16xi32> -> vector<16xf32>
        %eq3A_163 = arith.cmpi eq, %get3A_109, %gather3A_159 : vector<16xi32>
        %select_n3A_164 = arith.select %eq3A_163, %gather3A_162, %select_n3A_150 : vector<16xi1>, vector<16xf32>
        %ge3A = vector.broadcast %add3A_54 : i32 to vector<16xi32>
        %ge3A_165 = arith.cmpi sge, %get3A_109, %ge3A : vector<16xi32>
        %lt3A = vector.broadcast %add3A_70 : i32 to vector<16xi32>
        %lt3A_166 = arith.cmpi slt, %get3A_109, %lt3A : vector<16xi32>
        %and3A_167 = arith.andi %ge3A_165, %lt3A_166 : vector<16xi1>
        %sub3A_168 = vector.broadcast %add3A_54 : i32 to vector<16xi32>
        %sub3A_169 = arith.subi %get3A_109, %sub3A_168 : vector<16xi32>
        %jit3A = arith.constant 0 : i32
        %jit3A_170 = arith.constant 47999 : i32
        %max3A = vector.broadcast %jit3A : i32 to vector<16xi32>
        %max3A_171 = arith.maxsi %max3A, %sub3A_169 : vector<16xi32>
        %min3A_172 = vector.broadcast %jit3A_170 : i32 to vector<16xi32>
        %min3A_173 = arith.minsi %min3A_172, %max3A_171 : vector<16xi32>
        tpu.vector_store_idx %arg6[%min3A_173], %select_n3A_164 masked %and3A_167 : memref<48000xf32, #tpu.memory_space<vmem>>[vector<16xi32>], vector<16xf32>, vector<16xi1>
        %lt3A_174 = vector.broadcast %add3A_70 : i32 to vector<16xi32>
        %lt3A_175 = arith.cmpi slt, %get3A_109, %lt3A_174 : vector<16xi32>
        %all_reduce_population_count3A = tpu.all_reduce %lt3A_175 {dim = 0 : i64, kind = #tpu.reduction_kind<sum>} : vector<16xi1> -> vector<16xi32>
        %reduce_max3A = arith.constant true
        %reduce_max3A_176 = vector.broadcast %reduce_max3A : i1 to vector<16xi1>
        %reduce_max3A_177 = arith.constant -2147483648 : i32
        %reduce_max3A_178 = vector.broadcast %reduce_max3A_177 : i32 to vector<16xi32>
        %reduce_max3A_179 = arith.xori %all_reduce_population_count3A, %reduce_max3A_178 : vector<16xi32>
        %reduce_max3A_180 = tpu.scan <max>, %reduce_max3A_179 masked %reduce_max3A_176 : vector<16xi32>, vector<16xi1> -> vector<16xi32>
        %reduce_max3A_181 = arith.xori %reduce_max3A_180, %reduce_max3A_178 : vector<16xi32>
        %reduce_max3A_182 = vector.extract %reduce_max3A_181[15] : i32 from vector<16xi32>
        %eq3A_183 = arith.constant 16 : i32
        %eq3A_184 = arith.cmpi eq, %reduce_max3A_182, %eq3A_183 : i32
        %add3A_185 = arith.constant 16 : i32
        %add3A_186 = arith.addi %while3A_104, %add3A_185 : i32
        %select_n3A_187 = arith.select %eq3A_184, %add3A_186, %while3A_104 : i32
        %not3A = arith.constant true
        %not3A_188 = arith.xori %eq3A_184, %not3A : i1
        %ge3A_189 = arith.constant 12800000 : i32
        %ge3A_190 = arith.cmpi sge, %select_n3A_187, %ge3A_189 : i32
        %or3A = arith.ori %not3A_188, %ge3A_190 : i1
        %not3A_191 = arith.constant true
        %not3A_192 = arith.xori %or3A, %not3A_191 : i1
        %sub3A_193 = arith.subi %select_n3A_187, %min3A_99 : i32
        %add3A_194 = arith.constant 16 : i32
        %add3A_195 = arith.addi %sub3A_193, %add3A_194 : i32
        %le3A = arith.constant 16384 : i32
        %le3A_196 = arith.cmpi sle, %add3A_195, %le3A : i32
        %and3A_197 = arith.andi %not3A_192, %le3A_196 : i1
        scf.yield %select_n3A_187, %or3A, %and3A_197 : i32, i1, i1
      }
      scf.yield %while3A_103#0, %while3A_103#1 : i32, i1
    }
    %multiple_of3A_73 = tpu.assume_multiple %add3A_54, 16 : i32
    %dma_start3A_74 = arith.constant 0 : i32
    %dma_start3A_75 = tpu.memref_slice %arg6[%dma_start3A_74] : memref<48000xf32, #tpu.memory_space<vmem>> -> memref<48000xf32, #tpu.memory_space<vmem>>
    %dma_start3A_76 = tpu.memref_slice %arg5[%multiple_of3A_73] : memref<51199232xf32, #tpu.memory_space<hbm>> -> memref<48000xf32, #tpu.memory_space<hbm>>
    %dma_start3A_77 = tpu.memref_slice %arg5[%multiple_of3A_73] : memref<51199232xf32, #tpu.memory_space<hbm>> -> memref<48000xf32, #tpu.memory_space<hbm>>
    %dma_start3A_78 = arith.constant 0 : i32
    %dma_start3A_79 = tpu.memref_slice %arg6[%dma_start3A_78] : memref<48000xf32, #tpu.memory_space<vmem>> -> memref<48000xf32, #tpu.memory_space<vmem>>
    tpu.enqueue_dma source(%dma_start3A_79 : memref<48000xf32, #tpu.memory_space<vmem>>) target(%dma_start3A_77 : memref<48000xf32, #tpu.memory_space<hbm>>) target_semaphore(%arg11 : memref<!tpu.dma_semaphore, #tpu.memory_space<semaphore_mem>>)
    %add3A_80 = arith.constant 1584000 : i32
    %add3A_81 = arith.addi %mul3A_12, %add3A_80 : i32
    %ne3A = arith.constant 31 : i32
    %ne3A_82 = arith.cmpi ne, %add3A, %ne3A : i32
    %convert_element_type3A = arith.extui %ne3A_82 : i1 to i32
    %cond3A = arith.constant 0 : i32
    %cond3A_83 = arith.cmpi ne, %convert_element_type3A, %cond3A : i32
    scf.if %cond3A_83 {
      %sub3A_97 = arith.constant 96000 : i32
      %sub3A_98 = arith.subi %add3A_81, %sub3A_97 : i32
      %multiple_of3A_99 = tpu.assume_multiple %sub3A_98, 16 : i32
      %dma_wait3A_100 = arith.constant 0 : i32
      %dma_wait3A_101 = tpu.memref_slice %arg7[%dma_wait3A_100] : memref<48000xf32, #tpu.memory_space<vmem>> -> memref<48000xf32, #tpu.memory_space<vmem>>
      %dma_wait3A_102 = tpu.memref_slice %arg5[%multiple_of3A_99] : memref<51199232xf32, #tpu.memory_space<hbm>> -> memref<48000xf32, #tpu.memory_space<hbm>>
      %dma_wait3A_103 = tpu.memref_slice %arg5[%multiple_of3A_99] : memref<51199232xf32, #tpu.memory_space<hbm>> -> memref<48000xf32, #tpu.memory_space<hbm>>
      %dma_wait3A_104 = arith.constant 0 : i32
      %dma_wait3A_105 = tpu.memref_slice %arg7[%dma_wait3A_104] : memref<48000xf32, #tpu.memory_space<vmem>> -> memref<48000xf32, #tpu.memory_space<vmem>>
      tpu.wait_dma2 semaphore(%arg12 : memref<!tpu.dma_semaphore, #tpu.memory_space<semaphore_mem>>) src(%dma_wait3A_105 : memref<48000xf32, #tpu.memory_space<vmem>>) dst(%dma_wait3A_103 : memref<48000xf32, #tpu.memory_space<hbm>>)
      %scan3A_106 = arith.constant 0 : i32
      %scan3A_107 = arith.constant 0 : i32
      %scan3A_108 = arith.constant 992 : i32
      %scan3A_109 = arith.addi %scan3A_107, %scan3A_108 : i32
      %scan3A_110 = arith.constant 8 : i32
      scf.for %scan3A_171 = %scan3A_107 to %scan3A_109 step %scan3A_110  : i32 {
        %mul3A_172 = arith.constant 16 : i32
        %mul3A_173 = arith.muli %scan3A_171, %mul3A_172 : i32
        %swap3A_174 = arith.index_cast %mul3A_173 : i32 to index
        %swap3A_175 = tpu.vector_load %arg7[%swap3A_174] {strides = array<i32>} : memref<48000xf32, #tpu.memory_space<vmem>>, vector<16xf32>,
        tpu.vector_store %arg7[%swap3A_174], %broadcast_in_dim3A_1 {strides = array<i32>} : memref<48000xf32, #tpu.memory_space<vmem>>, vector<16xf32>,
        %scan3A_176 = arith.constant 1 : i32
        %scan3A_177 = arith.addi %scan3A_171, %scan3A_176 : i32
        %mul3A_178 = arith.constant 16 : i32
        %mul3A_179 = arith.muli %scan3A_177, %mul3A_178 : i32
        %swap3A_180 = arith.index_cast %mul3A_179 : i32 to index
        %swap3A_181 = tpu.vector_load %arg7[%swap3A_180] {strides = array<i32>} : memref<48000xf32, #tpu.memory_space<vmem>>, vector<16xf32>,
        tpu.vector_store %arg7[%swap3A_180], %broadcast_in_dim3A_1 {strides = array<i32>} : memref<48000xf32, #tpu.memory_space<vmem>>, vector<16xf32>,
        %scan3A_182 = arith.constant 2 : i32
        %scan3A_183 = arith.addi %scan3A_171, %scan3A_182 : i32
        %mul3A_184 = arith.constant 16 : i32
        %mul3A_185 = arith.muli %scan3A_183, %mul3A_184 : i32
        %swap3A_186 = arith.index_cast %mul3A_185 : i32 to index
        %swap3A_187 = tpu.vector_load %arg7[%swap3A_186] {strides = array<i32>} : memref<48000xf32, #tpu.memory_space<vmem>>, vector<16xf32>,
        tpu.vector_store %arg7[%swap3A_186], %broadcast_in_dim3A_1 {strides = array<i32>} : memref<48000xf32, #tpu.memory_space<vmem>>, vector<16xf32>,
        %scan3A_188 = arith.constant 3 : i32
        %scan3A_189 = arith.addi %scan3A_171, %scan3A_188 : i32
        %mul3A_190 = arith.constant 16 : i32
        %mul3A_191 = arith.muli %scan3A_189, %mul3A_190 : i32
        %swap3A_192 = arith.index_cast %mul3A_191 : i32 to index
        %swap3A_193 = tpu.vector_load %arg7[%swap3A_192] {strides = array<i32>} : memref<48000xf32, #tpu.memory_space<vmem>>, vector<16xf32>,
        tpu.vector_store %arg7[%swap3A_192], %broadcast_in_dim3A_1 {strides = array<i32>} : memref<48000xf32, #tpu.memory_space<vmem>>, vector<16xf32>,
        %scan3A_194 = arith.constant 4 : i32
        %scan3A_195 = arith.addi %scan3A_171, %scan3A_194 : i32
        %mul3A_196 = arith.constant 16 : i32
        %mul3A_197 = arith.muli %scan3A_195, %mul3A_196 : i32
        %swap3A_198 = arith.index_cast %mul3A_197 : i32 to index
        %swap3A_199 = tpu.vector_load %arg7[%swap3A_198] {strides = array<i32>} : memref<48000xf32, #tpu.memory_space<vmem>>, vector<16xf32>,
        tpu.vector_store %arg7[%swap3A_198], %broadcast_in_dim3A_1 {strides = array<i32>} : memref<48000xf32, #tpu.memory_space<vmem>>, vector<16xf32>,
        %scan3A_200 = arith.constant 5 : i32
        %scan3A_201 = arith.addi %scan3A_171, %scan3A_200 : i32
        %mul3A_202 = arith.constant 16 : i32
        %mul3A_203 = arith.muli %scan3A_201, %mul3A_202 : i32
        %swap3A_204 = arith.index_cast %mul3A_203 : i32 to index
        %swap3A_205 = tpu.vector_load %arg7[%swap3A_204] {strides = array<i32>} : memref<48000xf32, #tpu.memory_space<vmem>>, vector<16xf32>,
        tpu.vector_store %arg7[%swap3A_204], %broadcast_in_dim3A_1 {strides = array<i32>} : memref<48000xf32, #tpu.memory_space<vmem>>, vector<16xf32>,
        %scan3A_206 = arith.constant 6 : i32
        %scan3A_207 = arith.addi %scan3A_171, %scan3A_206 : i32
        %mul3A_208 = arith.constant 16 : i32
        %mul3A_209 = arith.muli %scan3A_207, %mul3A_208 : i32
        %swap3A_210 = arith.index_cast %mul3A_209 : i32 to index
        %swap3A_211 = tpu.vector_load %arg7[%swap3A_210] {strides = array<i32>} : memref<48000xf32, #tpu.memory_space<vmem>>, vector<16xf32>,
        tpu.vector_store %arg7[%swap3A_210], %broadcast_in_dim3A_1 {strides = array<i32>} : memref<48000xf32, #tpu.memory_space<vmem>>, vector<16xf32>,
        %scan3A_212 = arith.constant 7 : i32
        %scan3A_213 = arith.addi %scan3A_171, %scan3A_212 : i32
        %mul3A_214 = arith.constant 16 : i32
        %mul3A_215 = arith.muli %scan3A_213, %mul3A_214 : i32
        %swap3A_216 = arith.index_cast %mul3A_215 : i32 to index
        %swap3A_217 = tpu.vector_load %arg7[%swap3A_216] {strides = array<i32>} : memref<48000xf32, #tpu.memory_space<vmem>>, vector<16xf32>,
        tpu.vector_store %arg7[%swap3A_216], %broadcast_in_dim3A_1 {strides = array<i32>} : memref<48000xf32, #tpu.memory_space<vmem>>, vector<16xf32>,
      }
      %scan3A_111 = arith.constant 992 : i32
      %scan3A_112 = arith.addi %scan3A_107, %scan3A_111 : i32
      %mul3A_113 = arith.constant 16 : i32
      %mul3A_114 = arith.muli %scan3A_112, %mul3A_113 : i32
      %swap3A = arith.index_cast %mul3A_114 : i32 to index
      %swap3A_115 = tpu.vector_load %arg7[%swap3A] {strides = array<i32>} : memref<48000xf32, #tpu.memory_space<vmem>>, vector<16xf32>,
      tpu.vector_store %arg7[%swap3A], %broadcast_in_dim3A_1 {strides = array<i32>} : memref<48000xf32, #tpu.memory_space<vmem>>, vector<16xf32>,
      %scan3A_116 = arith.constant 993 : i32
      %scan3A_117 = arith.addi %scan3A_107, %scan3A_116 : i32
      %mul3A_118 = arith.constant 16 : i32
      %mul3A_119 = arith.muli %scan3A_117, %mul3A_118 : i32
      %swap3A_120 = arith.index_cast %mul3A_119 : i32 to index
      %swap3A_121 = tpu.vector_load %arg7[%swap3A_120] {strides = array<i32>} : memref<48000xf32, #tpu.memory_space<vmem>>, vector<16xf32>,
      tpu.vector_store %arg7[%swap3A_120], %broadcast_in_dim3A_1 {strides = array<i32>} : memref<48000xf32, #tpu.memory_space<vmem>>, vector<16xf32>,
      %scan3A_122 = arith.constant 994 : i32
      %scan3A_123 = arith.addi %scan3A_107, %scan3A_122 : i32
      %mul3A_124 = arith.constant 16 : i32
      %mul3A_125 = arith.muli %scan3A_123, %mul3A_124 : i32
      %swap3A_126 = arith.index_cast %mul3A_125 : i32 to index
      %swap3A_127 = tpu.vector_load %arg7[%swap3A_126] {strides = array<i32>} : memref<48000xf32, #tpu.memory_space<vmem>>, vector<16xf32>,
      tpu.vector_store %arg7[%swap3A_126], %broadcast_in_dim3A_1 {strides = array<i32>} : memref<48000xf32, #tpu.memory_space<vmem>>, vector<16xf32>,
      %scan3A_128 = arith.constant 995 : i32
      %scan3A_129 = arith.addi %scan3A_107, %scan3A_128 : i32
      %mul3A_130 = arith.constant 16 : i32
      %mul3A_131 = arith.muli %scan3A_129, %mul3A_130 : i32
      %swap3A_132 = arith.index_cast %mul3A_131 : i32 to index
      %swap3A_133 = tpu.vector_load %arg7[%swap3A_132] {strides = array<i32>} : memref<48000xf32, #tpu.memory_space<vmem>>, vector<16xf32>,
      tpu.vector_store %arg7[%swap3A_132], %broadcast_in_dim3A_1 {strides = array<i32>} : memref<48000xf32, #tpu.memory_space<vmem>>, vector<16xf32>,
      %scan3A_134 = arith.constant 996 : i32
      %scan3A_135 = arith.addi %scan3A_107, %scan3A_134 : i32
      %mul3A_136 = arith.constant 16 : i32
      %mul3A_137 = arith.muli %scan3A_135, %mul3A_136 : i32
      %swap3A_138 = arith.index_cast %mul3A_137 : i32 to index
      %swap3A_139 = tpu.vector_load %arg7[%swap3A_138] {strides = array<i32>} : memref<48000xf32, #tpu.memory_space<vmem>>, vector<16xf32>,
      tpu.vector_store %arg7[%swap3A_138], %broadcast_in_dim3A_1 {strides = array<i32>} : memref<48000xf32, #tpu.memory_space<vmem>>, vector<16xf32>,
      %scan3A_140 = arith.constant 997 : i32
      %scan3A_141 = arith.addi %scan3A_107, %scan3A_140 : i32
      %mul3A_142 = arith.constant 16 : i32
      %mul3A_143 = arith.muli %scan3A_141, %mul3A_142 : i32
      %swap3A_144 = arith.index_cast %mul3A_143 : i32 to index
      %swap3A_145 = tpu.vector_load %arg7[%swap3A_144] {strides = array<i32>} : memref<48000xf32, #tpu.memory_space<vmem>>, vector<16xf32>,
      tpu.vector_store %arg7[%swap3A_144], %broadcast_in_dim3A_1 {strides = array<i32>} : memref<48000xf32, #tpu.memory_space<vmem>>, vector<16xf32>,
      %scan3A_146 = arith.constant 998 : i32
      %scan3A_147 = arith.addi %scan3A_107, %scan3A_146 : i32
      %mul3A_148 = arith.constant 16 : i32
      %mul3A_149 = arith.muli %scan3A_147, %mul3A_148 : i32
      %swap3A_150 = arith.index_cast %mul3A_149 : i32 to index
      %swap3A_151 = tpu.vector_load %arg7[%swap3A_150] {strides = array<i32>} : memref<48000xf32, #tpu.memory_space<vmem>>, vector<16xf32>,
      tpu.vector_store %arg7[%swap3A_150], %broadcast_in_dim3A_1 {strides = array<i32>} : memref<48000xf32, #tpu.memory_space<vmem>>, vector<16xf32>,
      %scan3A_152 = arith.constant 999 : i32
      %add3A_153 = arith.constant 15984 : i32
      %add3A_154 = arith.addi %add3A_81, %add3A_153 : i32
      %while3A_155 = arith.constant false
      %while3A_156:2 = scf.while (%while3A_171 = %while3A_72#0, %while3A_172 = %while3A_155) : (i32, i1) -> (i32, i1) {
        %not3A = arith.constant true
        %not3A_173 = arith.xori %while3A_172, %not3A : i1
        scf.condition(%not3A_173) %while3A_171, %while3A_172 : i32, i1
      } do {
      ^bb0(%while3A_171: i32, %while3A_172: i1):
        %min3A = arith.constant 12783616 : i32
        %min3A_173 = arith.minsi %while3A_171, %min3A : i32
        %multiple_of3A_174 = tpu.assume_multiple %min3A_173, 16 : i32
        "tpu.region"() ({
          %run_scoped3A = tpu.sem_alloc : memref<!tpu.dma_semaphore, #tpu.memory_space<semaphore_mem>>
          %dma_start3A_178 = tpu.memref_slice %arg2[%multiple_of3A_174] : memref<12800000xi32, #tpu.memory_space<hbm>> -> memref<16384xi32, #tpu.memory_space<hbm>>
          %dma_start3A_179 = tpu.memref_slice %arg2[%multiple_of3A_174] : memref<12800000xi32, #tpu.memory_space<hbm>> -> memref<16384xi32, #tpu.memory_space<hbm>>
          tpu.enqueue_dma source(%dma_start3A_179 : memref<16384xi32, #tpu.memory_space<hbm>>) target(%arg8 : memref<16384xi32, #tpu.memory_space<vmem>>) target_semaphore(%run_scoped3A : memref<!tpu.dma_semaphore, #tpu.memory_space<semaphore_mem>>)
          %dma_wait3A_180 = tpu.memref_slice %arg2[%multiple_of3A_174] : memref<12800000xi32, #tpu.memory_space<hbm>> -> memref<16384xi32, #tpu.memory_space<hbm>>
          %dma_wait3A_181 = tpu.memref_slice %arg2[%multiple_of3A_174] : memref<12800000xi32, #tpu.memory_space<hbm>> -> memref<16384xi32, #tpu.memory_space<hbm>>
          tpu.wait_dma2 semaphore(%run_scoped3A : memref<!tpu.dma_semaphore, #tpu.memory_space<semaphore_mem>>) src(%dma_wait3A_181 : memref<16384xi32, #tpu.memory_space<hbm>>) dst(%arg8 : memref<16384xi32, #tpu.memory_space<vmem>>)
          tpu.yield
        }) : () -> ()
        "tpu.region"() ({
          %run_scoped3A = tpu.sem_alloc : memref<!tpu.dma_semaphore, #tpu.memory_space<semaphore_mem>>
          %dma_start3A_178 = tpu.memref_slice %arg3[%multiple_of3A_174] : memref<12800000xf32, #tpu.memory_space<hbm>> -> memref<16384xf32, #tpu.memory_space<hbm>>
          %dma_start3A_179 = tpu.memref_slice %arg3[%multiple_of3A_174] : memref<12800000xf32, #tpu.memory_space<hbm>> -> memref<16384xf32, #tpu.memory_space<hbm>>
          tpu.enqueue_dma source(%dma_start3A_179 : memref<16384xf32, #tpu.memory_space<hbm>>) target(%arg9 : memref<16384xf32, #tpu.memory_space<vmem>>) target_semaphore(%run_scoped3A : memref<!tpu.dma_semaphore, #tpu.memory_space<semaphore_mem>>)
          %dma_wait3A_180 = tpu.memref_slice %arg3[%multiple_of3A_174] : memref<12800000xf32, #tpu.memory_space<hbm>> -> memref<16384xf32, #tpu.memory_space<hbm>>
          %dma_wait3A_181 = tpu.memref_slice %arg3[%multiple_of3A_174] : memref<12800000xf32, #tpu.memory_space<hbm>> -> memref<16384xf32, #tpu.memory_space<hbm>>
          tpu.wait_dma2 semaphore(%run_scoped3A : memref<!tpu.dma_semaphore, #tpu.memory_space<semaphore_mem>>) src(%dma_wait3A_181 : memref<16384xf32, #tpu.memory_space<hbm>>) dst(%arg9 : memref<16384xf32, #tpu.memory_space<vmem>>)
          tpu.yield
        }) : () -> ()
        %while3A_175 = arith.constant false
        %while3A_176 = arith.constant true
        %while3A_177:3 = scf.while (%while3A_178 = %while3A_171, %while3A_179 = %while3A_175, %while3A_180 = %while3A_176) : (i32, i1, i1) -> (i32, i1, i1) {
          scf.condition(%while3A_180) %while3A_178, %while3A_179, %while3A_180 : i32, i1, i1
        } do {
        ^bb0(%while3A_178: i32, %while3A_179: i1, %while3A_180: i1):
          %sub3A_181 = arith.subi %while3A_178, %min3A_173 : i32
          %get3A_182 = arith.index_cast %sub3A_181 : i32 to index
          %get3A_183 = tpu.vector_load %arg8[%get3A_182] {strides = array<i32>} : memref<16384xi32, #tpu.memory_space<vmem>>, vector<16xi32>,
          %get3A_184 = arith.index_cast %sub3A_181 : i32 to index
          %get3A_185 = tpu.vector_load %arg9[%get3A_184] {strides = array<i32>} : memref<16384xf32, #tpu.memory_space<vmem>>, vector<16xf32>,
          %add3A_186 = arith.constant 1 : i32
          %add3A_187 = vector.broadcast %add3A_186 : i32 to vector<16xi32>
          %add3A_188 = arith.addi %iota3A, %add3A_187 : vector<16xi32>
          %min3A_189 = arith.constant 15 : i32
          %min3A_190 = vector.broadcast %min3A_189 : i32 to vector<16xi32>
          %min3A_191 = arith.minsi %add3A_188, %min3A_190 : vector<16xi32>
          %reshape3A = vector.shape_cast %min3A_191 : vector<16xi32> to vector<16x1xi32>
          %gather3A = vector.shape_cast %reshape3A : vector<16x1xi32> to vector<16xi32>
          %gather3A_192 = tpu.dynamic_gather %get3A_183[%gather3A] in [0] : vector<16xi32>, vector<16xi32> -> vector<16xi32>
          %reshape3A_193 = vector.shape_cast %min3A_191 : vector<16xi32> to vector<16x1xi32>
          %gather3A_194 = vector.shape_cast %reshape3A_193 : vector<16x1xi32> to vector<16xi32>
          %gather3A_195 = tpu.dynamic_gather %get3A_185[%gather3A_194] in [0] : vector<16xf32>, vector<16xi32> -> vector<16xf32>
          %eq3A_196 = arith.cmpi eq, %get3A_183, %gather3A_192 : vector<16xi32>
          %select_n3A = arith.select %eq3A_196, %gather3A_195, %get3A_185 : vector<16xi1>, vector<16xf32>
          %add3A_197 = arith.constant 2 : i32
          %add3A_198 = vector.broadcast %add3A_197 : i32 to vector<16xi32>
          %add3A_199 = arith.addi %iota3A, %add3A_198 : vector<16xi32>
          %min3A_200 = arith.constant 15 : i32
          %min3A_201 = vector.broadcast %min3A_200 : i32 to vector<16xi32>
          %min3A_202 = arith.minsi %add3A_199, %min3A_201 : vector<16xi32>
          %reshape3A_203 = vector.shape_cast %min3A_202 : vector<16xi32> to vector<16x1xi32>
          %gather3A_204 = vector.shape_cast %reshape3A_203 : vector<16x1xi32> to vector<16xi32>
          %gather3A_205 = tpu.dynamic_gather %get3A_183[%gather3A_204] in [0] : vector<16xi32>, vector<16xi32> -> vector<16xi32>
          %reshape3A_206 = vector.shape_cast %min3A_202 : vector<16xi32> to vector<16x1xi32>
          %gather3A_207 = vector.shape_cast %reshape3A_206 : vector<16x1xi32> to vector<16xi32>
          %gather3A_208 = tpu.dynamic_gather %select_n3A[%gather3A_207] in [0] : vector<16xf32>, vector<16xi32> -> vector<16xf32>
          %eq3A_209 = arith.cmpi eq, %get3A_183, %gather3A_205 : vector<16xi32>
          %select_n3A_210 = arith.select %eq3A_209, %gather3A_208, %select_n3A : vector<16xi1>, vector<16xf32>
          %add3A_211 = arith.constant 4 : i32
          %add3A_212 = vector.broadcast %add3A_211 : i32 to vector<16xi32>
          %add3A_213 = arith.addi %iota3A, %add3A_212 : vector<16xi32>
          %min3A_214 = arith.constant 15 : i32
          %min3A_215 = vector.broadcast %min3A_214 : i32 to vector<16xi32>
          %min3A_216 = arith.minsi %add3A_213, %min3A_215 : vector<16xi32>
          %reshape3A_217 = vector.shape_cast %min3A_216 : vector<16xi32> to vector<16x1xi32>
          %gather3A_218 = vector.shape_cast %reshape3A_217 : vector<16x1xi32> to vector<16xi32>
          %gather3A_219 = tpu.dynamic_gather %get3A_183[%gather3A_218] in [0] : vector<16xi32>, vector<16xi32> -> vector<16xi32>
          %reshape3A_220 = vector.shape_cast %min3A_216 : vector<16xi32> to vector<16x1xi32>
          %gather3A_221 = vector.shape_cast %reshape3A_220 : vector<16x1xi32> to vector<16xi32>
          %gather3A_222 = tpu.dynamic_gather %select_n3A_210[%gather3A_221] in [0] : vector<16xf32>, vector<16xi32> -> vector<16xf32>
          %eq3A_223 = arith.cmpi eq, %get3A_183, %gather3A_219 : vector<16xi32>
          %select_n3A_224 = arith.select %eq3A_223, %gather3A_222, %select_n3A_210 : vector<16xi1>, vector<16xf32>
          %add3A_225 = arith.constant 8 : i32
          %add3A_226 = vector.broadcast %add3A_225 : i32 to vector<16xi32>
          %add3A_227 = arith.addi %iota3A, %add3A_226 : vector<16xi32>
          %min3A_228 = arith.constant 15 : i32
          %min3A_229 = vector.broadcast %min3A_228 : i32 to vector<16xi32>
          %min3A_230 = arith.minsi %add3A_227, %min3A_229 : vector<16xi32>
          %reshape3A_231 = vector.shape_cast %min3A_230 : vector<16xi32> to vector<16x1xi32>
          %gather3A_232 = vector.shape_cast %reshape3A_231 : vector<16x1xi32> to vector<16xi32>
          %gather3A_233 = tpu.dynamic_gather %get3A_183[%gather3A_232] in [0] : vector<16xi32>, vector<16xi32> -> vector<16xi32>
          %reshape3A_234 = vector.shape_cast %min3A_230 : vector<16xi32> to vector<16x1xi32>
          %gather3A_235 = vector.shape_cast %reshape3A_234 : vector<16x1xi32> to vector<16xi32>
          %gather3A_236 = tpu.dynamic_gather %select_n3A_224[%gather3A_235] in [0] : vector<16xf32>, vector<16xi32> -> vector<16xf32>
          %eq3A_237 = arith.cmpi eq, %get3A_183, %gather3A_233 : vector<16xi32>
          %select_n3A_238 = arith.select %eq3A_237, %gather3A_236, %select_n3A_224 : vector<16xi1>, vector<16xf32>
          %ge3A = vector.broadcast %add3A_81 : i32 to vector<16xi32>
          %ge3A_239 = arith.cmpi sge, %get3A_183, %ge3A : vector<16xi32>
          %lt3A = vector.broadcast %add3A_154 : i32 to vector<16xi32>
          %lt3A_240 = arith.cmpi slt, %get3A_183, %lt3A : vector<16xi32>
          %and3A_241 = arith.andi %ge3A_239, %lt3A_240 : vector<16xi1>
          %sub3A_242 = vector.broadcast %add3A_81 : i32 to vector<16xi32>
          %sub3A_243 = arith.subi %get3A_183, %sub3A_242 : vector<16xi32>
          %jit3A = arith.constant 0 : i32
          %jit3A_244 = arith.constant 15983 : i32
          %max3A = vector.broadcast %jit3A : i32 to vector<16xi32>
          %max3A_245 = arith.maxsi %max3A, %sub3A_243 : vector<16xi32>
          %min3A_246 = vector.broadcast %jit3A_244 : i32 to vector<16xi32>
          %min3A_247 = arith.minsi %min3A_246, %max3A_245 : vector<16xi32>
          tpu.vector_store_idx %arg7[%min3A_247], %select_n3A_238 masked %and3A_241 : memref<48000xf32, #tpu.memory_space<vmem>>[vector<16xi32>], vector<16xf32>, vector<16xi1>
          %lt3A_248 = vector.broadcast %add3A_154 : i32 to vector<16xi32>
          %lt3A_249 = arith.cmpi slt, %get3A_183, %lt3A_248 : vector<16xi32>
          %all_reduce_population_count3A = tpu.all_reduce %lt3A_249 {dim = 0 : i64, kind = #tpu.reduction_kind<sum>} : vector<16xi1> -> vector<16xi32>
          %reduce_max3A = arith.constant true
          %reduce_max3A_250 = vector.broadcast %reduce_max3A : i1 to vector<16xi1>
          %reduce_max3A_251 = arith.constant -2147483648 : i32
          %reduce_max3A_252 = vector.broadcast %reduce_max3A_251 : i32 to vector<16xi32>
          %reduce_max3A_253 = arith.xori %all_reduce_population_count3A, %reduce_max3A_252 : vector<16xi32>
          %reduce_max3A_254 = tpu.scan <max>, %reduce_max3A_253 masked %reduce_max3A_250 : vector<16xi32>, vector<16xi1> -> vector<16xi32>
          %reduce_max3A_255 = arith.xori %reduce_max3A_254, %reduce_max3A_252 : vector<16xi32>
          %reduce_max3A_256 = vector.extract %reduce_max3A_255[15] : i32 from vector<16xi32>
          %eq3A_257 = arith.constant 16 : i32
          %eq3A_258 = arith.cmpi eq, %reduce_max3A_256, %eq3A_257 : i32
          %add3A_259 = arith.constant 16 : i32
          %add3A_260 = arith.addi %while3A_178, %add3A_259 : i32
          %select_n3A_261 = arith.select %eq3A_258, %add3A_260, %while3A_178 : i32
          %not3A = arith.constant true
          %not3A_262 = arith.xori %eq3A_258, %not3A : i1
          %ge3A_263 = arith.constant 12800000 : i32
          %ge3A_264 = arith.cmpi sge, %select_n3A_261, %ge3A_263 : i32
          %or3A = arith.ori %not3A_262, %ge3A_264 : i1
          %not3A_265 = arith.constant true
          %not3A_266 = arith.xori %or3A, %not3A_265 : i1
          %sub3A_267 = arith.subi %select_n3A_261, %min3A_173 : i32
          %add3A_268 = arith.constant 16 : i32
          %add3A_269 = arith.addi %sub3A_267, %add3A_268 : i32
          %le3A = arith.constant 16384 : i32
          %le3A_270 = arith.cmpi sle, %add3A_269, %le3A : i32
          %and3A_271 = arith.andi %not3A_266, %le3A_270 : i1
          scf.yield %select_n3A_261, %or3A, %and3A_271 : i32, i1, i1
        }
        scf.yield %while3A_177#0, %while3A_177#1 : i32, i1
      }
      %multiple_of3A_157 = tpu.assume_multiple %add3A_81, 16 : i32
      %dma_start3A_158 = arith.constant 0 : i32
      %dma_start3A_159 = tpu.memref_slice %arg7[%dma_start3A_158] : memref<48000xf32, #tpu.memory_space<vmem>> -> memref<15984xf32, #tpu.memory_space<vmem>>
      %dma_start3A_160 = tpu.memref_slice %arg5[%multiple_of3A_157] : memref<51199232xf32, #tpu.memory_space<hbm>> -> memref<15984xf32, #tpu.memory_space<hbm>>
      %dma_start3A_161 = tpu.memref_slice %arg5[%multiple_of3A_157] : memref<51199232xf32, #tpu.memory_space<hbm>> -> memref<15984xf32, #tpu.memory_space<hbm>>
      %dma_start3A_162 = arith.constant 0 : i32
      %dma_start3A_163 = tpu.memref_slice %arg7[%dma_start3A_162] : memref<48000xf32, #tpu.memory_space<vmem>> -> memref<15984xf32, #tpu.memory_space<vmem>>
      tpu.enqueue_dma source(%dma_start3A_163 : memref<15984xf32, #tpu.memory_space<vmem>>) target(%dma_start3A_161 : memref<15984xf32, #tpu.memory_space<hbm>>) target_semaphore(%arg12 : memref<!tpu.dma_semaphore, #tpu.memory_space<semaphore_mem>>)
      %multiple_of3A_164 = tpu.assume_multiple %add3A_81, 16 : i32
      %dma_wait3A_165 = arith.constant 0 : i32
      %dma_wait3A_166 = tpu.memref_slice %arg7[%dma_wait3A_165] : memref<48000xf32, #tpu.memory_space<vmem>> -> memref<15984xf32, #tpu.memory_space<vmem>>
      %dma_wait3A_167 = tpu.memref_slice %arg5[%multiple_of3A_164] : memref<51199232xf32, #tpu.memory_space<hbm>> -> memref<15984xf32, #tpu.memory_space<hbm>>
      %dma_wait3A_168 = tpu.memref_slice %arg5[%multiple_of3A_164] : memref<51199232xf32, #tpu.memory_space<hbm>> -> memref<15984xf32, #tpu.memory_space<hbm>>
      %dma_wait3A_169 = arith.constant 0 : i32
      %dma_wait3A_170 = tpu.memref_slice %arg7[%dma_wait3A_169] : memref<48000xf32, #tpu.memory_space<vmem>> -> memref<15984xf32, #tpu.memory_space<vmem>>
      tpu.wait_dma2 semaphore(%arg12 : memref<!tpu.dma_semaphore, #tpu.memory_space<semaphore_mem>>) src(%dma_wait3A_170 : memref<15984xf32, #tpu.memory_space<vmem>>) dst(%dma_wait3A_168 : memref<15984xf32, #tpu.memory_space<hbm>>)
    } else {
    }
    %eq3A = arith.constant 31 : i32
    %eq3A_84 = arith.cmpi eq, %add3A, %eq3A : i32
    %convert_element_type3A_85 = arith.extui %eq3A_84 : i1 to i32
    %cond3A_86 = arith.constant 0 : i32
    %cond3A_87 = arith.cmpi ne, %convert_element_type3A_85, %cond3A_86 : i32
    scf.if %cond3A_87 {
      %sub3A_97 = arith.constant 96000 : i32
      %sub3A_98 = arith.subi %add3A_81, %sub3A_97 : i32
      %multiple_of3A_99 = tpu.assume_multiple %sub3A_98, 16 : i32
      %dma_wait3A_100 = arith.constant 0 : i32
      %dma_wait3A_101 = tpu.memref_slice %arg7[%dma_wait3A_100] : memref<48000xf32, #tpu.memory_space<vmem>> -> memref<48000xf32, #tpu.memory_space<vmem>>
      %dma_wait3A_102 = tpu.memref_slice %arg5[%multiple_of3A_99] : memref<51199232xf32, #tpu.memory_space<hbm>> -> memref<48000xf32, #tpu.memory_space<hbm>>
      %dma_wait3A_103 = tpu.memref_slice %arg5[%multiple_of3A_99] : memref<51199232xf32, #tpu.memory_space<hbm>> -> memref<48000xf32, #tpu.memory_space<hbm>>
      %dma_wait3A_104 = arith.constant 0 : i32
      %dma_wait3A_105 = tpu.memref_slice %arg7[%dma_wait3A_104] : memref<48000xf32, #tpu.memory_space<vmem>> -> memref<48000xf32, #tpu.memory_space<vmem>>
      tpu.wait_dma2 semaphore(%arg12 : memref<!tpu.dma_semaphore, #tpu.memory_space<semaphore_mem>>) src(%dma_wait3A_105 : memref<48000xf32, #tpu.memory_space<vmem>>) dst(%dma_wait3A_103 : memref<48000xf32, #tpu.memory_space<hbm>>)
      %scan3A_106 = arith.constant 0 : i32
      %scan3A_107 = arith.constant 0 : i32
      %scan3A_108 = arith.constant 976 : i32
      %scan3A_109 = arith.addi %scan3A_107, %scan3A_108 : i32
      %scan3A_110 = arith.constant 8 : i32
      scf.for %scan3A_171 = %scan3A_107 to %scan3A_109 step %scan3A_110  : i32 {
        %mul3A_172 = arith.constant 16 : i32
        %mul3A_173 = arith.muli %scan3A_171, %mul3A_172 : i32
        %swap3A_174 = arith.index_cast %mul3A_173 : i32 to index
        %swap3A_175 = tpu.vector_load %arg7[%swap3A_174] {strides = array<i32>} : memref<48000xf32, #tpu.memory_space<vmem>>, vector<16xf32>,
        tpu.vector_store %arg7[%swap3A_174], %broadcast_in_dim3A_1 {strides = array<i32>} : memref<48000xf32, #tpu.memory_space<vmem>>, vector<16xf32>,
        %scan3A_176 = arith.constant 1 : i32
        %scan3A_177 = arith.addi %scan3A_171, %scan3A_176 : i32
        %mul3A_178 = arith.constant 16 : i32
        %mul3A_179 = arith.muli %scan3A_177, %mul3A_178 : i32
        %swap3A_180 = arith.index_cast %mul3A_179 : i32 to index
        %swap3A_181 = tpu.vector_load %arg7[%swap3A_180] {strides = array<i32>} : memref<48000xf32, #tpu.memory_space<vmem>>, vector<16xf32>,
        tpu.vector_store %arg7[%swap3A_180], %broadcast_in_dim3A_1 {strides = array<i32>} : memref<48000xf32, #tpu.memory_space<vmem>>, vector<16xf32>,
        %scan3A_182 = arith.constant 2 : i32
        %scan3A_183 = arith.addi %scan3A_171, %scan3A_182 : i32
        %mul3A_184 = arith.constant 16 : i32
        %mul3A_185 = arith.muli %scan3A_183, %mul3A_184 : i32
        %swap3A_186 = arith.index_cast %mul3A_185 : i32 to index
        %swap3A_187 = tpu.vector_load %arg7[%swap3A_186] {strides = array<i32>} : memref<48000xf32, #tpu.memory_space<vmem>>, vector<16xf32>,
        tpu.vector_store %arg7[%swap3A_186], %broadcast_in_dim3A_1 {strides = array<i32>} : memref<48000xf32, #tpu.memory_space<vmem>>, vector<16xf32>,
        %scan3A_188 = arith.constant 3 : i32
        %scan3A_189 = arith.addi %scan3A_171, %scan3A_188 : i32
        %mul3A_190 = arith.constant 16 : i32
        %mul3A_191 = arith.muli %scan3A_189, %mul3A_190 : i32
        %swap3A_192 = arith.index_cast %mul3A_191 : i32 to index
        %swap3A_193 = tpu.vector_load %arg7[%swap3A_192] {strides = array<i32>} : memref<48000xf32, #tpu.memory_space<vmem>>, vector<16xf32>,
        tpu.vector_store %arg7[%swap3A_192], %broadcast_in_dim3A_1 {strides = array<i32>} : memref<48000xf32, #tpu.memory_space<vmem>>, vector<16xf32>,
        %scan3A_194 = arith.constant 4 : i32
        %scan3A_195 = arith.addi %scan3A_171, %scan3A_194 : i32
        %mul3A_196 = arith.constant 16 : i32
        %mul3A_197 = arith.muli %scan3A_195, %mul3A_196 : i32
        %swap3A_198 = arith.index_cast %mul3A_197 : i32 to index
        %swap3A_199 = tpu.vector_load %arg7[%swap3A_198] {strides = array<i32>} : memref<48000xf32, #tpu.memory_space<vmem>>, vector<16xf32>,
        tpu.vector_store %arg7[%swap3A_198], %broadcast_in_dim3A_1 {strides = array<i32>} : memref<48000xf32, #tpu.memory_space<vmem>>, vector<16xf32>,
        %scan3A_200 = arith.constant 5 : i32
        %scan3A_201 = arith.addi %scan3A_171, %scan3A_200 : i32
        %mul3A_202 = arith.constant 16 : i32
        %mul3A_203 = arith.muli %scan3A_201, %mul3A_202 : i32
        %swap3A_204 = arith.index_cast %mul3A_203 : i32 to index
        %swap3A_205 = tpu.vector_load %arg7[%swap3A_204] {strides = array<i32>} : memref<48000xf32, #tpu.memory_space<vmem>>, vector<16xf32>,
        tpu.vector_store %arg7[%swap3A_204], %broadcast_in_dim3A_1 {strides = array<i32>} : memref<48000xf32, #tpu.memory_space<vmem>>, vector<16xf32>,
        %scan3A_206 = arith.constant 6 : i32
        %scan3A_207 = arith.addi %scan3A_171, %scan3A_206 : i32
        %mul3A_208 = arith.constant 16 : i32
        %mul3A_209 = arith.muli %scan3A_207, %mul3A_208 : i32
        %swap3A_210 = arith.index_cast %mul3A_209 : i32 to index
        %swap3A_211 = tpu.vector_load %arg7[%swap3A_210] {strides = array<i32>} : memref<48000xf32, #tpu.memory_space<vmem>>, vector<16xf32>,
        tpu.vector_store %arg7[%swap3A_210], %broadcast_in_dim3A_1 {strides = array<i32>} : memref<48000xf32, #tpu.memory_space<vmem>>, vector<16xf32>,
        %scan3A_212 = arith.constant 7 : i32
        %scan3A_213 = arith.addi %scan3A_171, %scan3A_212 : i32
        %mul3A_214 = arith.constant 16 : i32
        %mul3A_215 = arith.muli %scan3A_213, %mul3A_214 : i32
        %swap3A_216 = arith.index_cast %mul3A_215 : i32 to index
        %swap3A_217 = tpu.vector_load %arg7[%swap3A_216] {strides = array<i32>} : memref<48000xf32, #tpu.memory_space<vmem>>, vector<16xf32>,
        tpu.vector_store %arg7[%swap3A_216], %broadcast_in_dim3A_1 {strides = array<i32>} : memref<48000xf32, #tpu.memory_space<vmem>>, vector<16xf32>,
      }
      %scan3A_111 = arith.constant 976 : i32
      %scan3A_112 = arith.addi %scan3A_107, %scan3A_111 : i32
      %mul3A_113 = arith.constant 16 : i32
      %mul3A_114 = arith.muli %scan3A_112, %mul3A_113 : i32
      %swap3A = arith.index_cast %mul3A_114 : i32 to index
      %swap3A_115 = tpu.vector_load %arg7[%swap3A] {strides = array<i32>} : memref<48000xf32, #tpu.memory_space<vmem>>, vector<16xf32>,
      tpu.vector_store %arg7[%swap3A], %broadcast_in_dim3A_1 {strides = array<i32>} : memref<48000xf32, #tpu.memory_space<vmem>>, vector<16xf32>,
      %scan3A_116 = arith.constant 977 : i32
      %scan3A_117 = arith.addi %scan3A_107, %scan3A_116 : i32
      %mul3A_118 = arith.constant 16 : i32
      %mul3A_119 = arith.muli %scan3A_117, %mul3A_118 : i32
      %swap3A_120 = arith.index_cast %mul3A_119 : i32 to index
      %swap3A_121 = tpu.vector_load %arg7[%swap3A_120] {strides = array<i32>} : memref<48000xf32, #tpu.memory_space<vmem>>, vector<16xf32>,
      tpu.vector_store %arg7[%swap3A_120], %broadcast_in_dim3A_1 {strides = array<i32>} : memref<48000xf32, #tpu.memory_space<vmem>>, vector<16xf32>,
      %scan3A_122 = arith.constant 978 : i32
      %scan3A_123 = arith.addi %scan3A_107, %scan3A_122 : i32
      %mul3A_124 = arith.constant 16 : i32
      %mul3A_125 = arith.muli %scan3A_123, %mul3A_124 : i32
      %swap3A_126 = arith.index_cast %mul3A_125 : i32 to index
      %swap3A_127 = tpu.vector_load %arg7[%swap3A_126] {strides = array<i32>} : memref<48000xf32, #tpu.memory_space<vmem>>, vector<16xf32>,
      tpu.vector_store %arg7[%swap3A_126], %broadcast_in_dim3A_1 {strides = array<i32>} : memref<48000xf32, #tpu.memory_space<vmem>>, vector<16xf32>,
      %scan3A_128 = arith.constant 979 : i32
      %scan3A_129 = arith.addi %scan3A_107, %scan3A_128 : i32
      %mul3A_130 = arith.constant 16 : i32
      %mul3A_131 = arith.muli %scan3A_129, %mul3A_130 : i32
      %swap3A_132 = arith.index_cast %mul3A_131 : i32 to index
      %swap3A_133 = tpu.vector_load %arg7[%swap3A_132] {strides = array<i32>} : memref<48000xf32, #tpu.memory_space<vmem>>, vector<16xf32>,
      tpu.vector_store %arg7[%swap3A_132], %broadcast_in_dim3A_1 {strides = array<i32>} : memref<48000xf32, #tpu.memory_space<vmem>>, vector<16xf32>,
      %scan3A_134 = arith.constant 980 : i32
      %scan3A_135 = arith.addi %scan3A_107, %scan3A_134 : i32
      %mul3A_136 = arith.constant 16 : i32
      %mul3A_137 = arith.muli %scan3A_135, %mul3A_136 : i32
      %swap3A_138 = arith.index_cast %mul3A_137 : i32 to index
      %swap3A_139 = tpu.vector_load %arg7[%swap3A_138] {strides = array<i32>} : memref<48000xf32, #tpu.memory_space<vmem>>, vector<16xf32>,
      tpu.vector_store %arg7[%swap3A_138], %broadcast_in_dim3A_1 {strides = array<i32>} : memref<48000xf32, #tpu.memory_space<vmem>>, vector<16xf32>,
      %scan3A_140 = arith.constant 981 : i32
      %scan3A_141 = arith.addi %scan3A_107, %scan3A_140 : i32
      %mul3A_142 = arith.constant 16 : i32
      %mul3A_143 = arith.muli %scan3A_141, %mul3A_142 : i32
      %swap3A_144 = arith.index_cast %mul3A_143 : i32 to index
      %swap3A_145 = tpu.vector_load %arg7[%swap3A_144] {strides = array<i32>} : memref<48000xf32, #tpu.memory_space<vmem>>, vector<16xf32>,
      tpu.vector_store %arg7[%swap3A_144], %broadcast_in_dim3A_1 {strides = array<i32>} : memref<48000xf32, #tpu.memory_space<vmem>>, vector<16xf32>,
      %scan3A_146 = arith.constant 982 : i32
      %scan3A_147 = arith.addi %scan3A_107, %scan3A_146 : i32
      %mul3A_148 = arith.constant 16 : i32
      %mul3A_149 = arith.muli %scan3A_147, %mul3A_148 : i32
      %swap3A_150 = arith.index_cast %mul3A_149 : i32 to index
      %swap3A_151 = tpu.vector_load %arg7[%swap3A_150] {strides = array<i32>} : memref<48000xf32, #tpu.memory_space<vmem>>, vector<16xf32>,
      tpu.vector_store %arg7[%swap3A_150], %broadcast_in_dim3A_1 {strides = array<i32>} : memref<48000xf32, #tpu.memory_space<vmem>>, vector<16xf32>,
      %scan3A_152 = arith.constant 983 : i32
      %add3A_153 = arith.constant 15728 : i32
      %add3A_154 = arith.addi %add3A_81, %add3A_153 : i32
      %while3A_155 = arith.constant false
      %while3A_156:2 = scf.while (%while3A_171 = %while3A_72#0, %while3A_172 = %while3A_155) : (i32, i1) -> (i32, i1) {
        %not3A = arith.constant true
        %not3A_173 = arith.xori %while3A_172, %not3A : i1
        scf.condition(%not3A_173) %while3A_171, %while3A_172 : i32, i1
      } do {
      ^bb0(%while3A_171: i32, %while3A_172: i1):
        %min3A = arith.constant 12783616 : i32
        %min3A_173 = arith.minsi %while3A_171, %min3A : i32
        %multiple_of3A_174 = tpu.assume_multiple %min3A_173, 16 : i32
        "tpu.region"() ({
          %run_scoped3A = tpu.sem_alloc : memref<!tpu.dma_semaphore, #tpu.memory_space<semaphore_mem>>
          %dma_start3A_178 = tpu.memref_slice %arg2[%multiple_of3A_174] : memref<12800000xi32, #tpu.memory_space<hbm>> -> memref<16384xi32, #tpu.memory_space<hbm>>
          %dma_start3A_179 = tpu.memref_slice %arg2[%multiple_of3A_174] : memref<12800000xi32, #tpu.memory_space<hbm>> -> memref<16384xi32, #tpu.memory_space<hbm>>
          tpu.enqueue_dma source(%dma_start3A_179 : memref<16384xi32, #tpu.memory_space<hbm>>) target(%arg8 : memref<16384xi32, #tpu.memory_space<vmem>>) target_semaphore(%run_scoped3A : memref<!tpu.dma_semaphore, #tpu.memory_space<semaphore_mem>>)
          %dma_wait3A_180 = tpu.memref_slice %arg2[%multiple_of3A_174] : memref<12800000xi32, #tpu.memory_space<hbm>> -> memref<16384xi32, #tpu.memory_space<hbm>>
          %dma_wait3A_181 = tpu.memref_slice %arg2[%multiple_of3A_174] : memref<12800000xi32, #tpu.memory_space<hbm>> -> memref<16384xi32, #tpu.memory_space<hbm>>
          tpu.wait_dma2 semaphore(%run_scoped3A : memref<!tpu.dma_semaphore, #tpu.memory_space<semaphore_mem>>) src(%dma_wait3A_181 : memref<16384xi32, #tpu.memory_space<hbm>>) dst(%arg8 : memref<16384xi32, #tpu.memory_space<vmem>>)
          tpu.yield
        }) : () -> ()
        "tpu.region"() ({
          %run_scoped3A = tpu.sem_alloc : memref<!tpu.dma_semaphore, #tpu.memory_space<semaphore_mem>>
          %dma_start3A_178 = tpu.memref_slice %arg3[%multiple_of3A_174] : memref<12800000xf32, #tpu.memory_space<hbm>> -> memref<16384xf32, #tpu.memory_space<hbm>>
          %dma_start3A_179 = tpu.memref_slice %arg3[%multiple_of3A_174] : memref<12800000xf32, #tpu.memory_space<hbm>> -> memref<16384xf32, #tpu.memory_space<hbm>>
          tpu.enqueue_dma source(%dma_start3A_179 : memref<16384xf32, #tpu.memory_space<hbm>>) target(%arg9 : memref<16384xf32, #tpu.memory_space<vmem>>) target_semaphore(%run_scoped3A : memref<!tpu.dma_semaphore, #tpu.memory_space<semaphore_mem>>)
          %dma_wait3A_180 = tpu.memref_slice %arg3[%multiple_of3A_174] : memref<12800000xf32, #tpu.memory_space<hbm>> -> memref<16384xf32, #tpu.memory_space<hbm>>
          %dma_wait3A_181 = tpu.memref_slice %arg3[%multiple_of3A_174] : memref<12800000xf32, #tpu.memory_space<hbm>> -> memref<16384xf32, #tpu.memory_space<hbm>>
          tpu.wait_dma2 semaphore(%run_scoped3A : memref<!tpu.dma_semaphore, #tpu.memory_space<semaphore_mem>>) src(%dma_wait3A_181 : memref<16384xf32, #tpu.memory_space<hbm>>) dst(%arg9 : memref<16384xf32, #tpu.memory_space<vmem>>)
          tpu.yield
        }) : () -> ()
        %while3A_175 = arith.constant false
        %while3A_176 = arith.constant true
        %while3A_177:3 = scf.while (%while3A_178 = %while3A_171, %while3A_179 = %while3A_175, %while3A_180 = %while3A_176) : (i32, i1, i1) -> (i32, i1, i1) {
          scf.condition(%while3A_180) %while3A_178, %while3A_179, %while3A_180 : i32, i1, i1
        } do {
        ^bb0(%while3A_178: i32, %while3A_179: i1, %while3A_180: i1):
          %sub3A_181 = arith.subi %while3A_178, %min3A_173 : i32
          %get3A_182 = arith.index_cast %sub3A_181 : i32 to index
          %get3A_183 = tpu.vector_load %arg8[%get3A_182] {strides = array<i32>} : memref<16384xi32, #tpu.memory_space<vmem>>, vector<16xi32>,
          %get3A_184 = arith.index_cast %sub3A_181 : i32 to index
          %get3A_185 = tpu.vector_load %arg9[%get3A_184] {strides = array<i32>} : memref<16384xf32, #tpu.memory_space<vmem>>, vector<16xf32>,
          %add3A_186 = arith.constant 1 : i32
          %add3A_187 = vector.broadcast %add3A_186 : i32 to vector<16xi32>
          %add3A_188 = arith.addi %iota3A, %add3A_187 : vector<16xi32>
          %min3A_189 = arith.constant 15 : i32
          %min3A_190 = vector.broadcast %min3A_189 : i32 to vector<16xi32>
          %min3A_191 = arith.minsi %add3A_188, %min3A_190 : vector<16xi32>
          %reshape3A = vector.shape_cast %min3A_191 : vector<16xi32> to vector<16x1xi32>
          %gather3A = vector.shape_cast %reshape3A : vector<16x1xi32> to vector<16xi32>
          %gather3A_192 = tpu.dynamic_gather %get3A_183[%gather3A] in [0] : vector<16xi32>, vector<16xi32> -> vector<16xi32>
          %reshape3A_193 = vector.shape_cast %min3A_191 : vector<16xi32> to vector<16x1xi32>
          %gather3A_194 = vector.shape_cast %reshape3A_193 : vector<16x1xi32> to vector<16xi32>
          %gather3A_195 = tpu.dynamic_gather %get3A_185[%gather3A_194] in [0] : vector<16xf32>, vector<16xi32> -> vector<16xf32>
          %eq3A_196 = arith.cmpi eq, %get3A_183, %gather3A_192 : vector<16xi32>
          %select_n3A = arith.select %eq3A_196, %gather3A_195, %get3A_185 : vector<16xi1>, vector<16xf32>
          %add3A_197 = arith.constant 2 : i32
          %add3A_198 = vector.broadcast %add3A_197 : i32 to vector<16xi32>
          %add3A_199 = arith.addi %iota3A, %add3A_198 : vector<16xi32>
          %min3A_200 = arith.constant 15 : i32
          %min3A_201 = vector.broadcast %min3A_200 : i32 to vector<16xi32>
          %min3A_202 = arith.minsi %add3A_199, %min3A_201 : vector<16xi32>
          %reshape3A_203 = vector.shape_cast %min3A_202 : vector<16xi32> to vector<16x1xi32>
          %gather3A_204 = vector.shape_cast %reshape3A_203 : vector<16x1xi32> to vector<16xi32>
          %gather3A_205 = tpu.dynamic_gather %get3A_183[%gather3A_204] in [0] : vector<16xi32>, vector<16xi32> -> vector<16xi32>
          %reshape3A_206 = vector.shape_cast %min3A_202 : vector<16xi32> to vector<16x1xi32>
          %gather3A_207 = vector.shape_cast %reshape3A_206 : vector<16x1xi32> to vector<16xi32>
          %gather3A_208 = tpu.dynamic_gather %select_n3A[%gather3A_207] in [0] : vector<16xf32>, vector<16xi32> -> vector<16xf32>
          %eq3A_209 = arith.cmpi eq, %get3A_183, %gather3A_205 : vector<16xi32>
          %select_n3A_210 = arith.select %eq3A_209, %gather3A_208, %select_n3A : vector<16xi1>, vector<16xf32>
          %add3A_211 = arith.constant 4 : i32
          %add3A_212 = vector.broadcast %add3A_211 : i32 to vector<16xi32>
          %add3A_213 = arith.addi %iota3A, %add3A_212 : vector<16xi32>
          %min3A_214 = arith.constant 15 : i32
          %min3A_215 = vector.broadcast %min3A_214 : i32 to vector<16xi32>
          %min3A_216 = arith.minsi %add3A_213, %min3A_215 : vector<16xi32>
          %reshape3A_217 = vector.shape_cast %min3A_216 : vector<16xi32> to vector<16x1xi32>
          %gather3A_218 = vector.shape_cast %reshape3A_217 : vector<16x1xi32> to vector<16xi32>
          %gather3A_219 = tpu.dynamic_gather %get3A_183[%gather3A_218] in [0] : vector<16xi32>, vector<16xi32> -> vector<16xi32>
          %reshape3A_220 = vector.shape_cast %min3A_216 : vector<16xi32> to vector<16x1xi32>
          %gather3A_221 = vector.shape_cast %reshape3A_220 : vector<16x1xi32> to vector<16xi32>
          %gather3A_222 = tpu.dynamic_gather %select_n3A_210[%gather3A_221] in [0] : vector<16xf32>, vector<16xi32> -> vector<16xf32>
          %eq3A_223 = arith.cmpi eq, %get3A_183, %gather3A_219 : vector<16xi32>
          %select_n3A_224 = arith.select %eq3A_223, %gather3A_222, %select_n3A_210 : vector<16xi1>, vector<16xf32>
          %add3A_225 = arith.constant 8 : i32
          %add3A_226 = vector.broadcast %add3A_225 : i32 to vector<16xi32>
          %add3A_227 = arith.addi %iota3A, %add3A_226 : vector<16xi32>
          %min3A_228 = arith.constant 15 : i32
          %min3A_229 = vector.broadcast %min3A_228 : i32 to vector<16xi32>
          %min3A_230 = arith.minsi %add3A_227, %min3A_229 : vector<16xi32>
          %reshape3A_231 = vector.shape_cast %min3A_230 : vector<16xi32> to vector<16x1xi32>
          %gather3A_232 = vector.shape_cast %reshape3A_231 : vector<16x1xi32> to vector<16xi32>
          %gather3A_233 = tpu.dynamic_gather %get3A_183[%gather3A_232] in [0] : vector<16xi32>, vector<16xi32> -> vector<16xi32>
          %reshape3A_234 = vector.shape_cast %min3A_230 : vector<16xi32> to vector<16x1xi32>
          %gather3A_235 = vector.shape_cast %reshape3A_234 : vector<16x1xi32> to vector<16xi32>
          %gather3A_236 = tpu.dynamic_gather %select_n3A_224[%gather3A_235] in [0] : vector<16xf32>, vector<16xi32> -> vector<16xf32>
          %eq3A_237 = arith.cmpi eq, %get3A_183, %gather3A_233 : vector<16xi32>
          %select_n3A_238 = arith.select %eq3A_237, %gather3A_236, %select_n3A_224 : vector<16xi1>, vector<16xf32>
          %ge3A = vector.broadcast %add3A_81 : i32 to vector<16xi32>
          %ge3A_239 = arith.cmpi sge, %get3A_183, %ge3A : vector<16xi32>
          %lt3A = vector.broadcast %add3A_154 : i32 to vector<16xi32>
          %lt3A_240 = arith.cmpi slt, %get3A_183, %lt3A : vector<16xi32>
          %and3A_241 = arith.andi %ge3A_239, %lt3A_240 : vector<16xi1>
          %sub3A_242 = vector.broadcast %add3A_81 : i32 to vector<16xi32>
          %sub3A_243 = arith.subi %get3A_183, %sub3A_242 : vector<16xi32>
          %jit3A = arith.constant 0 : i32
          %jit3A_244 = arith.constant 15727 : i32
          %max3A = vector.broadcast %jit3A : i32 to vector<16xi32>
          %max3A_245 = arith.maxsi %max3A, %sub3A_243 : vector<16xi32>
          %min3A_246 = vector.broadcast %jit3A_244 : i32 to vector<16xi32>
          %min3A_247 = arith.minsi %min3A_246, %max3A_245 : vector<16xi32>
          tpu.vector_store_idx %arg7[%min3A_247], %select_n3A_238 masked %and3A_241 : memref<48000xf32, #tpu.memory_space<vmem>>[vector<16xi32>], vector<16xf32>, vector<16xi1>
          %lt3A_248 = vector.broadcast %add3A_154 : i32 to vector<16xi32>
          %lt3A_249 = arith.cmpi slt, %get3A_183, %lt3A_248 : vector<16xi32>
          %all_reduce_population_count3A = tpu.all_reduce %lt3A_249 {dim = 0 : i64, kind = #tpu.reduction_kind<sum>} : vector<16xi1> -> vector<16xi32>
          %reduce_max3A = arith.constant true
          %reduce_max3A_250 = vector.broadcast %reduce_max3A : i1 to vector<16xi1>
          %reduce_max3A_251 = arith.constant -2147483648 : i32
          %reduce_max3A_252 = vector.broadcast %reduce_max3A_251 : i32 to vector<16xi32>
          %reduce_max3A_253 = arith.xori %all_reduce_population_count3A, %reduce_max3A_252 : vector<16xi32>
          %reduce_max3A_254 = tpu.scan <max>, %reduce_max3A_253 masked %reduce_max3A_250 : vector<16xi32>, vector<16xi1> -> vector<16xi32>
          %reduce_max3A_255 = arith.xori %reduce_max3A_254, %reduce_max3A_252 : vector<16xi32>
          %reduce_max3A_256 = vector.extract %reduce_max3A_255[15] : i32 from vector<16xi32>
          %eq3A_257 = arith.constant 16 : i32
          %eq3A_258 = arith.cmpi eq, %reduce_max3A_256, %eq3A_257 : i32
          %add3A_259 = arith.constant 16 : i32
          %add3A_260 = arith.addi %while3A_178, %add3A_259 : i32
          %select_n3A_261 = arith.select %eq3A_258, %add3A_260, %while3A_178 : i32
          %not3A = arith.constant true
          %not3A_262 = arith.xori %eq3A_258, %not3A : i1
          %ge3A_263 = arith.constant 12800000 : i32
          %ge3A_264 = arith.cmpi sge, %select_n3A_261, %ge3A_263 : i32
          %or3A = arith.ori %not3A_262, %ge3A_264 : i1
          %not3A_265 = arith.constant true
          %not3A_266 = arith.xori %or3A, %not3A_265 : i1
          %sub3A_267 = arith.subi %select_n3A_261, %min3A_173 : i32
          %add3A_268 = arith.constant 16 : i32
          %add3A_269 = arith.addi %sub3A_267, %add3A_268 : i32
          %le3A = arith.constant 16384 : i32
          %le3A_270 = arith.cmpi sle, %add3A_269, %le3A : i32
          %and3A_271 = arith.andi %not3A_266, %le3A_270 : i1
          scf.yield %select_n3A_261, %or3A, %and3A_271 : i32, i1, i1
        }
        scf.yield %while3A_177#0, %while3A_177#1 : i32, i1
      }
      %multiple_of3A_157 = tpu.assume_multiple %add3A_81, 16 : i32
      %dma_start3A_158 = arith.constant 0 : i32
      %dma_start3A_159 = tpu.memref_slice %arg7[%dma_start3A_158] : memref<48000xf32, #tpu.memory_space<vmem>> -> memref<15728xf32, #tpu.memory_space<vmem>>
      %dma_start3A_160 = tpu.memref_slice %arg5[%multiple_of3A_157] : memref<51199232xf32, #tpu.memory_space<hbm>> -> memref<15728xf32, #tpu.memory_space<hbm>>
      %dma_start3A_161 = tpu.memref_slice %arg5[%multiple_of3A_157] : memref<51199232xf32, #tpu.memory_space<hbm>> -> memref<15728xf32, #tpu.memory_space<hbm>>
      %dma_start3A_162 = arith.constant 0 : i32
      %dma_start3A_163 = tpu.memref_slice %arg7[%dma_start3A_162] : memref<48000xf32, #tpu.memory_space<vmem>> -> memref<15728xf32, #tpu.memory_space<vmem>>
      tpu.enqueue_dma source(%dma_start3A_163 : memref<15728xf32, #tpu.memory_space<vmem>>) target(%dma_start3A_161 : memref<15728xf32, #tpu.memory_space<hbm>>) target_semaphore(%arg12 : memref<!tpu.dma_semaphore, #tpu.memory_space<semaphore_mem>>)
      %multiple_of3A_164 = tpu.assume_multiple %add3A_81, 16 : i32
      %dma_wait3A_165 = arith.constant 0 : i32
      %dma_wait3A_166 = tpu.memref_slice %arg7[%dma_wait3A_165] : memref<48000xf32, #tpu.memory_space<vmem>> -> memref<15728xf32, #tpu.memory_space<vmem>>
      %dma_wait3A_167 = tpu.memref_slice %arg5[%multiple_of3A_164] : memref<51199232xf32, #tpu.memory_space<hbm>> -> memref<15728xf32, #tpu.memory_space<hbm>>
      %dma_wait3A_168 = tpu.memref_slice %arg5[%multiple_of3A_164] : memref<51199232xf32, #tpu.memory_space<hbm>> -> memref<15728xf32, #tpu.memory_space<hbm>>
      %dma_wait3A_169 = arith.constant 0 : i32
      %dma_wait3A_170 = tpu.memref_slice %arg7[%dma_wait3A_169] : memref<48000xf32, #tpu.memory_space<vmem>> -> memref<15728xf32, #tpu.memory_space<vmem>>
      tpu.wait_dma2 semaphore(%arg12 : memref<!tpu.dma_semaphore, #tpu.memory_space<semaphore_mem>>) src(%dma_wait3A_170 : memref<15728xf32, #tpu.memory_space<vmem>>) dst(%dma_wait3A_168 : memref<15728xf32, #tpu.memory_space<hbm>>)
    } else {
    }
    %add3A_88 = arith.constant 1536000 : i32
    %add3A_89 = arith.addi %mul3A_12, %add3A_88 : i32
    %multiple_of3A_90 = tpu.assume_multiple %add3A_89, 16 : i32
    %dma_wait3A_91 = arith.constant 0 : i32
    %dma_wait3A_92 = tpu.memref_slice %arg6[%dma_wait3A_91] : memref<48000xf32, #tpu.memory_space<vmem>> -> memref<48000xf32, #tpu.memory_space<vmem>>
    %dma_wait3A_93 = tpu.memref_slice %arg5[%multiple_of3A_90] : memref<51199232xf32, #tpu.memory_space<hbm>> -> memref<48000xf32, #tpu.memory_space<hbm>>
    %dma_wait3A_94 = tpu.memref_slice %arg5[%multiple_of3A_90] : memref<51199232xf32, #tpu.memory_space<hbm>> -> memref<48000xf32, #tpu.memory_space<hbm>>
    %dma_wait3A_95 = arith.constant 0 : i32
    %dma_wait3A_96 = tpu.memref_slice %arg6[%dma_wait3A_95] : memref<48000xf32, #tpu.memory_space<vmem>> -> memref<48000xf32, #tpu.memory_space<vmem>>
    tpu.wait_dma2 semaphore(%arg11 : memref<!tpu.dma_semaphore, #tpu.memory_space<semaphore_mem>>) src(%dma_wait3A_96 : memref<48000xf32, #tpu.memory_space<vmem>>) dst(%dma_wait3A_94 : memref<48000xf32, #tpu.memory_space<hbm>>)
    return
  }
}

</mosaic_0001>

<sc_bundles>
// kernel: kernel.3.cloned.1.call-start
scs
__scs_entry_jumppad:
0x0: {  	(pc) =	sbr.rel $0x88, $3  }
0x1: {  	(tag) =	ssettag $0x0;
	lr =	simm.s32 $0x1  }
0x2: {  	[smem:$0x3F9F] =	sst lr;
	_ =	strace $0xD0000000  }
0x3: {  	_ = 	snop  }
0x4: {  	_ = 	snop  }
0x5: {  	_ = 	snop  }
0x6: {  	_ = 	snop  }
0x7: {  	_ = 	snop  }
__scs_overlays_trampoline_lowered:
0x8: {  	[smem:$0x3FAE] =	sst s0  }
0x9: {  	[smem:$0x3FAF] =	sst s1  }
0xa: {  	[smem:$0x3FB0] =	sst s2  }
0xb: {  	[smem:$0x3FB1] =	sst s3  }
0xc: {  	[smem:$0x3FB2] =	sst s4  }
0xd: {  	[smem:$0x3FB3] =	sst s5  }
0xe: {  	[smem:$0x3FB4] =	sst s6  }
0xf: {  	[smem:$0x3FB5] =	sst s7  }
0x10: {  	[smem:$0x3FB6] =	sst s8  }
0x11: {  	[smem:$0x3FB7] =	sst s9;
	s0 =	simm.s32 @!p0 $0x0  }
0x12: {  	s1 =	sld [smem:$0x3F9D];
	s0 =	simm.s32 @p0 $0x1  }
0x13: {  	[smem:$0x3FB8] =	sst s0;
	s0 =	simm.s32 @!p1 $0x0  }
0x14: {  	s2 =	sld [smem:$0x3F9C];
	s0 =	simm.s32 @p1 $0x1  }
0x15: {  	[smem:$0x3FB9] =	sst s0;
	s0 =	simm.s32 @!p2 $0x0  }
0x16: {  	s3 =	sld [smem:$0x3FDB];
	s0 =	simm.s32 @p2 $0x1  }
0x17: {  	s4 =	simm.s32 $0x1BF5;
	[smem:$0x3FBB] =	sst s0  }
0x18: {  	s0 =	sld [smem:$0x3F9E];
	_ =	swait.ge [sflag:s4], $0x0  }
0x19: {  	s7 =	sld [smem:$0x3F9F]  }
0x1a: {  	s8 =	sadd.s32 $0xFFFFE003, lr  }
0x1b: {  	s9 =	sadd.s32 $0xFFFFFEF7, lr;
	s5 =	simm.s32 $0xFFFFFFFF;
	p2 =	slt.u32 s8, $0xFFFFF086  }
0x1c: {  	p1 =	slt.u32 s9, $0xF7A;
	s5 =	simm.s32 @!p2 $0x0  }
0x1d: {  	s5 =	simm.s32 @p1 $0x1;
	p0 =	seq.s32 s7, s2  }
0x1e: {  	s7 =	smul.u32 @!p0 $0xF7A, s2;
	p2 =	seq.s32 @!p0 s5, $0x0  }
0x1f: {  	s9 =	smul.u32 $0xF7A, s1;
	s8 =	simm.s32 @!p0 $0x1BF5;
	p2 =	por !p2, p0  }
0x20: {  	[sflag:s8] =	ssyncset.s32 @!p0 $0xFFFFF086;
	s6 =	sadd.s32 @!p0 s3, s7;
	s7 =	simm.s32 @!p0 $0x108  }
0x21: {  	s3 =	sadd.s32 s3, s9;
	s6 =	sadd.s32 @!p0 $0x88, s6;
	s7 =	simm.s32 @p2 $0x1082  }
0x22: {  	[simem:s7], [sflag:s8] =	dma.local @!p0 [hbm:s6], $0xF7A  }
0x23: {  	s9 =	sor.u32 $0xD0000000, s2;
	s6 =	simm.s32 $0x108;
	_ =	swait.ge @!p0 [sflag:s8], $0x0  }
0x24: {  	s3 =	sadd.s32 $0x88, s3;
	s6 =	simm.s32 @!p1 $0x1082;
	[sflag:s4] =	ssyncset.s32 $0xFFFFF086  }
0x25: {  	[simem:s6], [sflag:s4] =	dma.local [hbm:s3], $0xF7A  }
0x26: {  	[smem:$0x3F9F] =	sst s1;
	(tag) =	ssettag s2;
	_ =	strace s9  }
0x27: {  	s1 =	sld [smem:$0x3FAF]  }
0x28: {  	s2 =	sld [smem:$0x3FB0]  }
0x29: {  	s4 =	sld [smem:$0x3FB2]  }
0x2a: {  	p0 =	seq.s32 s5, $0x0;
	s5 =	sld [smem:$0x3FB3]  }
0x2b: {  	s6 =	sld [smem:$0x3FB4]  }
0x2c: {  	s7 =	sld [smem:$0x3FB5]  }
0x2d: {  	s3 =	simm.s32 $0x108;
	s8 =	sld [smem:$0x3FB6]  }
0x2e: {  	s3 =	simm.s32 @!p0 $0x1082;
	s9 =	sld [smem:$0x3FB7]  }
0x2f: {  	lr =	sadd.s32 s0, s3;
	s0 =	sld [smem:$0x3FAE]  }
0x30: {  	s3 =	sld [smem:$0x3FB1]  }
0x31: {  	[smem:$0x3FBA] =	sst s10  }
0x32: {  	s10 =	sld [smem:$0x3FB8];
	_ =	sdelay $0x3  }
0x33: {  	p0 =	seq.s32 s10, $0x1;
	s10 =	sld [smem:$0x3FBA];
	_ =	sdelay $0x3  }
0x34: {  	[smem:$0x3FBA] =	sst s10  }
0x35: {  	s10 =	sld [smem:$0x3FB9];
	_ =	sdelay $0x3  }
0x36: {  	p1 =	seq.s32 s10, $0x1;
	s10 =	sld [smem:$0x3FBA];
	_ =	sdelay $0x3  }
0x37: {  	[smem:$0x3FBA] =	sst s10  }
0x38: {  	s10 =	sld [smem:$0x3FBB]  }
0x39: {  	_ = 	snop;
	(pc) =	sbr.ind lr, $3  }
0x3a: {  	_ = 	snop  }
0x3b: {  	_ = 	snop  }
0x3c: {  	p2 =	seq.s32 s10, $0x1;
	s10 =	sld [smem:$0x3FBA]  }
0x3d: {  	_ =	shalt  }
0x3e: {  	_ =	shalt  }
0x3f: {  	_ =	shalt  }
0x40: {  	_ =	shalt  }
0x41: {  	_ =	shalt  }
0x42: {  	_ =	shalt  }
0x43: {  	_ =	shalt  }
0x44: {  	_ =	shalt  }
0x45: {  	_ =	shalt  }
0x46: {  	_ =	shalt  }
0x47: {  	_ =	shalt  }
0x48: {  	_ =	shalt  }
0x49: {  	_ =	shalt  }
0x4a: {  	_ =	shalt  }
0x4b: {  	_ =	shalt  }
0x4c: {  	_ =	shalt  }
0x4d: {  	_ =	shalt  }
0x4e: {  	_ =	shalt  }
0x4f: {  	_ =	shalt  }
0x50: {  	_ =	shalt  }
0x51: {  	_ =	shalt  }
0x52: {  	_ =	shalt  }
0x53: {  	_ =	shalt  }
0x54: {  	_ =	shalt  }
0x55: {  	_ =	shalt  }
0x56: {  	_ =	shalt  }
0x57: {  	_ =	shalt  }
0x58: {  	_ =	shalt  }
0x59: {  	_ =	shalt  }
0x5a: {  	_ =	shalt  }
0x5b: {  	_ =	shalt  }
0x5c: {  	_ =	shalt  }
0x5d: {  	_ =	shalt  }
0x5e: {  	_ =	shalt  }
0x5f: {  	_ =	shalt  }
0x60: {  	_ =	shalt  }
0x61: {  	_ =	shalt  }
0x62: {  	_ =	shalt  }
0x63: {  	_ =	shalt  }
0x64: {  	_ =	shalt  }
0x65: {  	_ =	shalt  }
0x66: {  	_ =	shalt  }
0x67: {  	_ =	shalt  }
0x68: {  	_ =	shalt  }
0x69: {  	_ =	shalt  }
0x6a: {  	_ =	shalt  }
0x6b: {  	_ =	shalt  }
0x6c: {  	_ =	shalt  }
0x6d: {  	_ =	shalt  }
0x6e: {  	_ =	shalt  }
0x6f: {  	_ =	shalt  }
0x70: {  	_ =	shalt  }
0x71: {  	_ =	shalt  }
0x72: {  	_ =	shalt  }
0x73: {  	_ =	shalt  }
0x74: {  	_ =	shalt  }
0x75: {  	_ =	shalt  }
0x76: {  	_ =	shalt  }
0x77: {  	_ =	shalt  }
0x78: {  	_ =	shalt  }
0x79: {  	_ =	shalt  }
0x7a: {  	_ =	shalt  }
0x7b: {  	_ =	shalt  }
0x7c: {  	_ =	shalt  }
0x7d: {  	_ =	shalt  }
0x7e: {  	_ =	shalt  }
0x7f: {  	_ =	shalt  }
0x80: {  	_ =	shalt  }
0x81: {  	_ =	shalt  }
0x82: {  	_ =	shalt  }
0x83: {  	_ =	shalt  }
0x84: {  	_ =	shalt  }
0x85: {  	_ =	shalt  }
0x86: {  	_ =	shalt  }
0x87: {  	_ =	shalt  }
.Lfunc_end0:
.L_simem_size_0:
called_computation_lowered:
.L_overlay_start_0:
0x88: {  	s2 =	sld [smem:$0x3FD9]  }
0x89: {  	s3 =	sld [smem:$0x3FFE];
	_ =	sdelay $0x1  }
0x8a: {  	s1 =	srdreg.scid  }
0x8b: {  	s0 =	sand.u32 $0x1, s1  }
0x8c: {  	s17 =	sshll.u32 s0, $0xA;
	s2 =	sadd.s32 s3, s2  }
0x8d: {  	s2 =	sadd.s32 s2, s17  }
0x8e: {  	[smem:$0x3FC6] =	sst s2  }
0x8f: {  	_ = 	snop  }
0x90: {  	s2 =	sld [smem:$0x3FD0];
	(tm) =	ssettm $0x1  }
0x91: {  	s18 =	sld [smem:$0x3FFB];
	_ =	sdelay $0x3  }
0x92: {  	_ =	strace s18  }
0x93: {  	s3 =	sld [smem:$0x3FFC];
	_ =	sdelay $0x3  }
0x94: {  	_ =	strace s3  }
0x95: {  	s3 =	sld [smem:$0x3FFD];
	_ =	sdelay $0x3  }
0x96: {  	_ =	strace s3  }
0x97: {  	_ =	strace $0x8FFFFFFF  }
0x98: {  	s19 =	sld [smem:$0x3FDB];
	_ =	sdelay $0x1  }
0x99: {  	s4 =	simm.s32 $_scs_section_size  }
0x9a: {  	s5 =	simm.s32 $_size__tile_overlayer_lowered;
	s6 =	simm.s32 $_tile_overlayer_lowered  }
0x9b: {  	s22 =	simm.s32 $0x1BFF;
	s21 =	sshll.u32 s6, $0x1;
	s3 =	sadd.s32 s4, s19  }
0x9c: {  	s7 =	simm.s32 $0x0;
	s20 =	sshll.u32 s5, $0x1;
	s5 =	sadd.s32 s21, s3  }
0x9d: {  	[timem:s7], [sflag:s22] =	dma.local [hbm:s5], s20  }
0x9e: {  	_ =	swait.ge [sflag:s22], s20  }
0x9f: {  	s4 =	ssub.s32 $0x0, s20;
	[sflag:s22] =	ssyncset.done $0x0  }
0xa0: {  	[sflag:s22] =	ssyncadd.s32 s4;
	_ =	sdelay $0x1  }
0xa1: {  	s23 =	simm.s32 $0x1B8B  }
0xa2: {  	_ =	swait.ge [sflag:s23], $0x1  }
0xa3: {  	[sflag:s23] =	ssyncset.done $0x0  }
0xa4: {  	s25 =	simm.s32 $0x1B8E;
	s24 =	sld [smem:$0x3FFE];
	[sflag:s23] =	ssyncadd.s32 $0xFFFFFFFF  }
0xa5: {  	s26 =	simm.s32 $execute0_lowered;
	[smem:$0x3FD2] =	sst s25  }
0xa6: {  	s5 =	sshll.u32 s26, $0x1;
	_ =	strace $0x80000046;
	[dreg:$0x1] =	wrdreg $0xFFFFFFFF  }
0xa7: {  	s28 =	simm.s32 $_size_execute0_lowered;
	s3 =	sadd.s32 s3, s5;
	[dreg:$0x0] =	wrdreg $0x0  }
0xa8: {  	s5 =	sshll.u32 s28, $0x1;
	[dreg:$0x2] =	wrdreg s3  }
0xa9: {  	[dreg:$0x3] =	wrdreg s5  }
0xaa: {  	[dreg:$0x4] =	wrdreg $0xC0  }
0xab: {  	_ =	task [dreg:s7], $0x5FFFF  }
0xac: {  	[dreg:$0x1] =	wrdreg $0xFFFFFFFF  }
0xad: {  	[dreg:$0x0] =	wrdreg $0x60  }
0xae: {  	[dreg:$0x2] =	wrdreg s24  }
0xaf: {  	[dreg:$0x3] =	wrdreg s2  }
0xb0: {  	[dreg:$0x4] =	wrdreg $0x9  }
0xb1: {  	_ =	task.clear_ibuf [dreg:s7], $0x5FFFF;
	_ =	strace $0x90000046  }
0xb2: {  	s29 =	simm.s32 $0x9;
	_ =	strace $0x80000048  }
0xb3: {  	_ =	swait.ge [sflag:s29], $0x1  }
0xb4: {  	[sflag:s29] =	ssyncadd.s32 $0xFFFFFFFF  }
0xb5: {  	_ =	strace $0x90000048  }
0xb6: {  	_ =	sfence  }
0xb7: {  	s30 =	sld [smem:$0x0];
	_ =	sdelay $0x2  }
0xb8: {  	s31 =	sshll.u32 s1, $0xD;
	s1 =	sshrl.u32 s1, $0x2  }
0xb9: {  	s3 =	sand.u32 $0x4000, s31;
	s1 =	sadd.s32 s1, s30  }
0xba: {  	s0 =	sor.u32 s3, s0;
	s1 =	sshll.u32 s1, $0x11  }
0xbb: {  	s0 =	sor.u32 s1, s0  }
0xbc: {  	s0 =	sadd.s32 $0x8F2B, s0  }
0xbd: {  	[sflag:s0] =	ssyncadd.remote.s32 $0x1  }
0xbe: {  	_ =	sfence.sel $0xFFFF  }
0xbf: {  	[dreg:$0x0] =	wrdreg $0xFFFFFFFF;
	(pc) =	sbr.abs _section_cstart, $3  }
0xc0: {  	[dreg:$0x1] =	wrdreg $0xFFFFFFFF  }
0xc1: {  	_ =	task.clear_ibuf [dreg:s7], $0x2FFFF;
	_ =	strace $0x9FFFFFFF  }
0xc2: {  	(tm) =	ssettm $0x7FFFFFFF  }
0xc3: {  	_ =	shalt  }
tec
execute0_lowered:
.L_overlay_start_1:
0x0: {  	(tag) =	ssettag $0x1  }
0x1: {  	s1 =	srdreg.scid;
	s8 =	rddreg [dreg:$0x0]  }
0x2: {  	s0 =	stileid.u32;
	s3 =	rddreg [dreg:$0x1]  }
0x3: {  	s5 =	simm.s32 $0x0;
	v4 =	vimm.s32 $0xFFEDCBA9;
	s16 =	simm.s32 $0x3;
	s17 =	simm.s32 $0x17700  }
0x4: {  	v5 =	vimm.s32 $0x87654321;
	v8 =	vimm.s32 $0x98765432;
	s18 =	simm.s32 $0x1B700;
	s19 =	simm.s32 $0xBB80;
	s20 =	simm.s32 $0x1  }
0x5: {  	v9 =	vimm.s32 $0xBA987654;
	v11 =	vimm.s32 $0xFEDCBA98;
	vm0 =	vcmask $0x1F00;
	s7 =	sand.u32 $0x1, s1;
	s25 =	sshll.u32 s0, $0x1;
	s1 =	rddreg [dreg:$0x2]  }
0x6: {  	s21 =	simm.s32 $0x2;
	[smem:$0x7FF] =	sst s5;
	v6 =	vunpack.c.l.s4.s8 v4;
	v5 =	vunpack.c.l.s4.s8 v5;
	v4 =	vimm.s32 $0xFFFEDCBA;
	s22 =	sor.u32 s7, s25  }
0x7: {  	v8 =	vunpack.c.l.s4.s8 v8;
	v9 =	vunpack.c.l.s4.s8 v9;
	_ =	strace $0x80000047;
	s9 =	ssub.s32 $0x2, s7;
	v7 =	vunpack.c.l.s4.s8 v4;
	s7 =	sadd.s32 $0x186E00, s8  }
0x8: {  	vm1 =	vcmask $0x2F20;
	s2 =	smul.u32 $0x1869F0, s22;
	s12 =	sshll.u32 s22, $0x4;
	s13 =	sshrl.u32 s9, $0x1;
	v6 =	vunpack.c.0.s8.s32 v6;
	v10 =	vunpack.c.0.s8.s32 v5  }
0x9: {  	v8 =	vunpack.c.0.s8.s32 v8;
	v9 =	vunpack.c.0.s8.s32 v9;
	p0 =	seq.s32 s22, $0x1F;
	s14 =	ssub.s32 s9, s13;
	v7 =	vunpack.c.0.s8.s32 v7;
	s13 =	sadd.s32 $0x619FF2, s3  }
0xa: {  	s4 =	sadd.s32 $0xBB80, s2;
	s6 =	sadd.s32 $0x17700, s2;
	v0 =	vmov s2;
	s10 =	sadd.s32 $0x177000, s2;
	v10 =	vcombine.low v10, v6;
	v6 =	vunpack.c.l.s4.s8 v11  }
0xb: {  	s22 =	simm.s32 $0x0;
	s11 =	sadd.s32 $0x182B80, s2;
	s28 =	sadd.s32 $0x1869F0, s2;
	v1 =	vmov s4;
	v2 =	vmov s6;
	v3 =	vmov s10  }
.Ltmp0:
0xc: {  	s26 =	sshrl.u32 s2, $0x3;
	s31 =	sadd.s32 $0x1868F0, s2;
	v4 =	vmov s11;
	v11 =	vcombine.low v8, v7;
	v8 =	vimm.s32 $0xF0E0D0C;
	(pc) =	sbr.rel .LBB2_1-.Ltmp0, $4  }
0xd: {  	s14 =	smax.u32 s14, $0x1;
	s6 =	sadd.s32 $0x400, s8;
	s8 =	sadd.s32 s12, s8;
	v7 =	vand.u32 $0xF, v9;
	v8 =	vunpack.c.0.s8.s32 v8;
	v9 =	vunpack.c.0.s8.s32 v6  }
0xe: {  	s9 =	sadd.s32 s3, s26;
	s29 =	sshrl.u32 s4, $0x3;
	s15 =	sshrl.u32 s10, $0x3;
	v5 =	vmov s28;
	v6 =	vmov s31;
	v7 =	vnsel vm0, $0xF, v7  }
0xf: {  	s30 =	sshrl.u32 s11, $0x3;
	s8 =	sadd.s32 $0x30D800, s8;
	s10 =	sadd.s32 s3, s29;
	v7 =	vsel vm1, v8, v7;
	v8 =	vimm.f32 $0.0e+00;
	v12 =	vand.u32 $0xF, v9  }
0x10: {  	s11 =	sadd.s32 s3, s15;
	s12 =	sadd.s32 s3, s30;
	s15 =	simm.s32 $0x1F700;
	v9 =	vand.u32 $0xF, v10;
	v10 =	vand.u32 $0xF, v11;
	v11 =	vnsel vm0, $0xF, v12  }
.LBB2_48:
0x11: {  	s22 =	sadd.s32 $0x1, s22  }
0x12: {  	p1 =	sne.s32 s22, s14  }
.Ltmp1:
0x13: {  	_ = 	snop;
	(pc) =	sbr.rel @!p1 .LBB2_49-.Ltmp1, $4  }
0x14: {  	_ = 	snop  }
0x15: {  	_ =	swait.ge [sflag:s20], $0xBB80  }
0x16: {  	[sflag:s20] =	ssyncset.done $0x0  }
0x17: {  	[sflag:s20] =	ssyncadd.s32 $0xFFFF4480  }
.LBB2_1:
0x18: {  	[tilespmem:s15], [sflag:$0x3] =	stream.linear.gather [hbm4b:s8+s5], $0x80, $0x38;
	[tilespmem:$0x1F780] =	vst v63  }
0x19: {  	_ =	swait.ge [sflag:s16], $0x80  }
0x1a: {  	[sflag:s16] =	ssyncset.done $0x0  }
0x1b: {  	s23 =	simm.s32 $0x40;
	[sflag:s16] =	ssyncadd.s32 $0xFFFFFF80  }
0x1c: {  	v12 =	vld [tilespmem:$0x1F700];
	[tilespmem:s23+$0xFFFFFFC0] =	vst v8  }
0x1d: {  	[tilespmem:s23+$0x30] =	vst v8  }
0x1e: {  	[tilespmem:s23+$0x20] =	vst v8  }
0x1f: {  	[tilespmem:s23+$0x10] =	vst v8  }
0x20: {  	[tilespmem:s23+$0x0] =	vst v8  }
0x21: {  	[tilespmem:s23+$0xFFFFFFF0] =	vst v8  }
0x22: {  	s24 =	simm.s32 $0x0;
	[tilespmem:s23+$0xFFFFFFE0] =	vst v8  }
.LBB2_2:
0x23: {  	s24 =	sadd.s32 $0x8, s24;
	[tilespmem:s23+$0xFFFFFFD0] =	vst v8;
	s23 =	sadd.s32 $0x80, s23  }
0x24: {  	[tilespmem:s23+$0xFFFFFFC0] =	vst v8;
	p1 =	slt.u32 s24, $0xBB0  }
0x25: {  	[tilespmem:s23+$0x30] =	vst v8  }
.Ltmp2:
0x26: {  	[tilespmem:s23+$0x20] =	vst v8;
	(pc) =	sbr.rel @p1 .LBB2_2-.Ltmp2, $4  }
0x27: {  	[tilespmem:s23+$0x10] =	vst v8  }
0x28: {  	[tilespmem:s23+$0x0] =	vst v8  }
0x29: {  	[tilespmem:s23+$0xFFFFFFF0] =	vst v8  }
0x2a: {  	[tilespmem:s23+$0xFFFFFFE0] =	vst v8  }
0x2b: {  	v12 =	vxor.u32 $0x80000000, v12  }
0x2c: {  	(xrf0) =	vmin.scan.msk.u32 $0xffff, v12;
	_ =	sdelay $0x5  }
0x2d: {  	v12, _, _ =	vpop (xrf0)  }
0x2e: {  	(v2sf) =	vpush v12, $0xF;
	_ =	sdelay $0xe  }
0x2f: {  	s24 =	spop (v2sf)  }
0x30: {  	s25 =	sxor.u32 $0x80000000, s24;
	s24 =	sand.u32 $0xF, s24  }
0x31: {  	[tilespmem:s23+$0xFFFFFFD0] =	vst v8;
	s23 =	ssub.s32 s25, s24  }
.LBB2_5:
0x32: {  	p1 =	slt.s32 s23, $0xC31000;
	s24 =	smov.u32 s23  }
0x33: {  	s24 =	simm.s32 @!p1 $0xC31000  }
0x34: {  	s25 =	sshrl.u32 s24, $0x3  }
0x35: {  	s26 =	sadd.s32 s6, s25  }
0x36: {  	[tilespmem:s17], [sflag:$0x3] =	stream.linear.gather [hbm4b:s26+s5], $0x4000, $0x38;
	[tilespmem:$0x1F780] =	vst v63  }
0x37: {  	_ =	swait.ge [sflag:s16], $0x4000  }
0x38: {  	[sflag:s16] =	ssyncset.done $0x0  }
0x39: {  	s25 =	sadd.s32 s7, s25;
	[sflag:s16] =	ssyncadd.s32 $0xFFFFC000  }
0x3a: {  	[tilespmem:s18], [sflag:$0x3] =	stream.linear.gather [hbm4b:s25+s5], $0x4000, $0x38;
	[tilespmem:$0x1F780] =	vst v63  }
0x3b: {  	_ =	swait.ge [sflag:s16], $0x4000  }
0x3c: {  	[sflag:s16] =	ssyncset.done $0x0  }
0x3d: {  	[sflag:s16] =	ssyncadd.s32 $0xFFFFC000  }
.LBB2_6:
0x3e: {  	s25 =	ssub.s32 s23, s24  }
0x3f: {  	v12 =	vld [tilespmem:s25+$0x17700];
	_ =	sdelay $0x4  }
0x40: {  	vm0 =	vlt.s32 v12, v1  }
0x41: {  	v13 =	vmpcnt.ones.xlane vm0;
	_ =	sdelay $0x1  }
0x42: {  	v13 =	vxor.u32 $0x80000000, v13  }
0x43: {  	(xrf0) =	vmax.scan.msk.u32 $0xffff, v13;
	_ =	sdelay $0x5  }
0x44: {  	v13, _, _ =	vpop (xrf0)  }
0x45: {  	(v2sf) =	vpush v13, $0xF;
	_ =	sdelay $0x8  }
0x46: {  	v59 =	vld [tilespmem:s25+$0x1B700];
	_ =	sdelay $0x3  }
0x47: {  	v14 =	vperm.xlane v12, v9  }
0x48: {  	v15 =	vperm.xlane v59, v9  }
0x49: {  	vm1 =	veq.s32 v12, v14;
	s31 =	spop (v2sf)  }
0x4a: {  	s25 =	sadd.s32 $0x10, s23;
	v60 =	vperm.xlane v12, v10;
	v13 =	vsel vm1, v15, v59;
	p1 =	seq.s32 s31, $0x80000010  }
0x4b: {  	v15 =	vperm.xlane v13, v10;
	s23 =	smov.u32 @p1 s25  }
0x4c: {  	v61 =	vsub.s32 v12, v0;
	v62 =	vperm.xlane v12, v7;
	vm12 =	veq.s32 v12, v60;
	p2 =	slt.s32 s23, $0xC35000;
	s25 =	ssub.s32 s23, s24  }
0x4d: {  	vm13 =	vge.s32 v12, v0;
	vm2 =	vgt.s32 v61, $0x0;
	v13 =	vsel vm12, v15, v13;
	p1 =	por !p1, !p2;
	s25 =	sadd.s32 $0x10, s25  }
0x4e: {  	vm0 =	vmand vm13, vm0;
	v14 =	vnsel vm2, $0x0, v61;
	v16 =	vperm.xlane v13, v7;
	p1 =	por !p1, !p1;
	p6 =	sgt.s32 s25, $0x4000  }
0x4f: {  	vm14 =	veq.s32 v12, v62;
	v14 =	vmin.u32 v14, $0xBB7F;
	p2 =	por p6, !p1  }
.Ltmp3:
0x50: {  	v63 =	vperm.xlane v12, v11;
	v13 =	vsel vm14, v16, v13;
	(pc) =	sbr.rel @!p2 .LBB2_6-.Ltmp3, $4  }
0x51: {  	v16 =	vperm.xlane v13, v11  }
0x52: {  	vm15 =	veq.s32 v12, v63  }
0x53: {  	v12 =	vsel vm15, v16, v13  }
0x54: {  	[tilespmem:v14+s5+$0x0] =	vst.idx.msk vm0, v12  }
.Ltmp4:
0x55: {  	(pc) =	sbr.rel @p1 .LBB2_5-.Ltmp4, $1  }
0x56: {  	_ =	sdelay $0x3  }
0x57: {  	[hbm4b:s9+s5] =	stream.linear.scatter [tilespmem:s5], [sflag:$0x1], $0xBB80, $0x38;
	[tilespmem:$0x1F780] =	vst v63  }
0x58: {  	s24 =	simm.s32 $0xBBC0  }
0x59: {  	[tilespmem:s24+$0xFFFFFFC0] =	vst v8  }
0x5a: {  	[tilespmem:s24+$0x30] =	vst v8  }
0x5b: {  	[tilespmem:s24+$0x20] =	vst v8  }
0x5c: {  	[tilespmem:s24+$0x10] =	vst v8  }
0x5d: {  	[tilespmem:s24+$0x0] =	vst v8  }
0x5e: {  	[tilespmem:s24+$0xFFFFFFF0] =	vst v8  }
0x5f: {  	s25 =	simm.s32 $0x0;
	[tilespmem:s24+$0xFFFFFFE0] =	vst v8  }
.LBB2_8:
0x60: {  	s25 =	sadd.s32 $0x8, s25;
	[tilespmem:s24+$0xFFFFFFD0] =	vst v8;
	s24 =	sadd.s32 $0x80, s24  }
0x61: {  	[tilespmem:s24+$0xFFFFFFC0] =	vst v8;
	p1 =	slt.u32 s25, $0xBB0  }
0x62: {  	[tilespmem:s24+$0x30] =	vst v8  }
.Ltmp5:
0x63: {  	[tilespmem:s24+$0x20] =	vst v8;
	(pc) =	sbr.rel @p1 .LBB2_8-.Ltmp5, $4  }
0x64: {  	[tilespmem:s24+$0x10] =	vst v8  }
0x65: {  	[tilespmem:s24+$0x0] =	vst v8  }
0x66: {  	[tilespmem:s24+$0xFFFFFFF0] =	vst v8  }
0x67: {  	[tilespmem:s24+$0xFFFFFFE0] =	vst v8  }
0x68: {  	[tilespmem:s24+$0xFFFFFFD0] =	vst v8  }
.LBB2_11:
0x69: {  	p1 =	slt.s32 s23, $0xC31000;
	s24 =	smov.u32 s23  }
0x6a: {  	s24 =	simm.s32 @!p1 $0xC31000  }
0x6b: {  	s25 =	sshrl.u32 s24, $0x3  }
0x6c: {  	s26 =	sadd.s32 s6, s25  }
0x6d: {  	[tilespmem:s17], [sflag:$0x3] =	stream.linear.gather [hbm4b:s26+s5], $0x4000, $0x38;
	[tilespmem:$0x1F780] =	vst v63  }
0x6e: {  	_ =	swait.ge [sflag:s16], $0x4000  }
0x6f: {  	[sflag:s16] =	ssyncset.done $0x0  }
0x70: {  	s25 =	sadd.s32 s7, s25;
	[sflag:s16] =	ssyncadd.s32 $0xFFFFC000  }
0x71: {  	[tilespmem:s18], [sflag:$0x3] =	stream.linear.gather [hbm4b:s25+s5], $0x4000, $0x38;
	[tilespmem:$0x1F780] =	vst v63  }
0x72: {  	_ =	swait.ge [sflag:s16], $0x4000  }
0x73: {  	[sflag:s16] =	ssyncset.done $0x0  }
0x74: {  	[sflag:s16] =	ssyncadd.s32 $0xFFFFC000  }
.LBB2_12:
0x75: {  	s25 =	ssub.s32 s23, s24  }
0x76: {  	v12 =	vld [tilespmem:s25+$0x17700];
	_ =	sdelay $0x4  }
0x77: {  	vm0 =	vlt.s32 v12, v2  }
0x78: {  	v13 =	vmpcnt.ones.xlane vm0;
	_ =	sdelay $0x1  }
0x79: {  	v13 =	vxor.u32 $0x80000000, v13  }
0x7a: {  	(xrf0) =	vmax.scan.msk.u32 $0xffff, v13;
	_ =	sdelay $0x5  }
0x7b: {  	v13, _, _ =	vpop (xrf0)  }
0x7c: {  	(v2sf) =	vpush v13, $0xF;
	_ =	sdelay $0x8  }
0x7d: {  	v59 =	vld [tilespmem:s25+$0x1B700];
	_ =	sdelay $0x3  }
0x7e: {  	v14 =	vperm.xlane v12, v9  }
0x7f: {  	v15 =	vperm.xlane v59, v9  }
0x80: {  	vm1 =	veq.s32 v12, v14;
	s31 =	spop (v2sf)  }
0x81: {  	s25 =	sadd.s32 $0x10, s23;
	v60 =	vperm.xlane v12, v10;
	v13 =	vsel vm1, v15, v59;
	p1 =	seq.s32 s31, $0x80000010  }
0x82: {  	v15 =	vperm.xlane v13, v10;
	s23 =	smov.u32 @p1 s25  }
0x83: {  	v61 =	vsub.s32 v12, v1;
	v62 =	vperm.xlane v12, v7;
	vm12 =	veq.s32 v12, v60;
	p2 =	slt.s32 s23, $0xC35000;
	s25 =	ssub.s32 s23, s24  }
0x84: {  	vm13 =	vge.s32 v12, v1;
	vm2 =	vgt.s32 v61, $0x0;
	v13 =	vsel vm12, v15, v13;
	p1 =	por !p1, !p2;
	s25 =	sadd.s32 $0x10, s25  }
0x85: {  	vm0 =	vmand vm13, vm0;
	v14 =	vnsel vm2, $0x0, v61;
	v16 =	vperm.xlane v13, v7;
	p1 =	por !p1, !p1;
	p6 =	sgt.s32 s25, $0x4000  }
0x86: {  	vm14 =	veq.s32 v12, v62;
	v14 =	vmin.u32 v14, $0xBB7F;
	p2 =	por p6, !p1  }
.Ltmp6:
0x87: {  	v63 =	vperm.xlane v12, v11;
	v13 =	vsel vm14, v16, v13;
	(pc) =	sbr.rel @!p2 .LBB2_12-.Ltmp6, $4  }
0x88: {  	v16 =	vperm.xlane v13, v11  }
0x89: {  	vm15 =	veq.s32 v12, v63  }
0x8a: {  	v12 =	vsel vm15, v16, v13  }
0x8b: {  	[tilespmem:v14+s19+$0x0] =	vst.idx.msk vm0, v12  }
.Ltmp7:
0x8c: {  	(pc) =	sbr.rel @p1 .LBB2_11-.Ltmp7, $1  }
0x8d: {  	_ =	sdelay $0x3  }
0x8e: {  	[hbm4b:s10+s5] =	stream.linear.scatter [tilespmem:s19], [sflag:$0x2], $0xBB80, $0x38;
	[tilespmem:$0x1F780] =	vst v63  }
0x8f: {  	s24 =	simm.s32 $0x1  }
.LBB2_14:
0x90: {  	_ =	swait.ge [sflag:s20], $0xBB80  }
0x91: {  	[sflag:s20] =	ssyncset.done $0x0  }
0x92: {  	s28 =	simm.s32 $0x40;
	[sflag:s20] =	ssyncadd.s32 $0xFFFF4480  }
0x93: {  	[tilespmem:s28+$0xFFFFFFC0] =	vst v8  }
0x94: {  	[tilespmem:s28+$0x30] =	vst v8  }
0x95: {  	[tilespmem:s28+$0x20] =	vst v8  }
0x96: {  	[tilespmem:s28+$0x10] =	vst v8  }
0x97: {  	[tilespmem:s28+$0x0] =	vst v8  }
0x98: {  	[tilespmem:s28+$0xFFFFFFF0] =	vst v8  }
0x99: {  	s25 =	simm.s32 $0x0;
	[tilespmem:s28+$0xFFFFFFE0] =	vst v8  }
.LBB2_15:
0x9a: {  	s25 =	sadd.s32 $0x8, s25;
	[tilespmem:s28+$0xFFFFFFD0] =	vst v8;
	s28 =	sadd.s32 $0x80, s28  }
0x9b: {  	[tilespmem:s28+$0xFFFFFFC0] =	vst v8;
	p1 =	slt.u32 s25, $0xBB0  }
0x9c: {  	[tilespmem:s28+$0x30] =	vst v8  }
.Ltmp8:
0x9d: {  	[tilespmem:s28+$0x20] =	vst v8;
	(pc) =	sbr.rel @p1 .LBB2_15-.Ltmp8, $4  }
0x9e: {  	[tilespmem:s28+$0x10] =	vst v8  }
0x9f: {  	[tilespmem:s28+$0x0] =	vst v8  }
0xa0: {  	[tilespmem:s28+$0xFFFFFFF0] =	vst v8  }
0xa1: {  	[tilespmem:s28+$0xFFFFFFE0] =	vst v8  }
0xa2: {  	s25 =	smul.u32 $0x17700, s24;
	_ =	sdelay $0x1  }
0xa3: {  	s26 =	sadd.s32 s2, s25  }
0xa4: {  	s29 =	sadd.s32 $0xBB80, s26  }
0xa5: {  	[tilespmem:s28+$0xFFFFFFD0] =	vst v8;
	v12 =	vmov s26;
	v13 =	vmov s29  }
.LBB2_18:
0xa6: {  	p1 =	slt.s32 s23, $0xC31000;
	s28 =	smov.u32 s23  }
0xa7: {  	s28 =	simm.s32 @!p1 $0xC31000  }
0xa8: {  	s29 =	sshrl.u32 s28, $0x3  }
0xa9: {  	s30 =	sadd.s32 s6, s29  }
0xaa: {  	[tilespmem:s17], [sflag:$0x3] =	stream.linear.gather [hbm4b:s30+s5], $0x4000, $0x38;
	[tilespmem:$0x1F780] =	vst v63  }
0xab: {  	_ =	swait.ge [sflag:s16], $0x4000  }
0xac: {  	[sflag:s16] =	ssyncset.done $0x0  }
0xad: {  	s29 =	sadd.s32 s7, s29;
	[sflag:s16] =	ssyncadd.s32 $0xFFFFC000  }
0xae: {  	[tilespmem:s18], [sflag:$0x3] =	stream.linear.gather [hbm4b:s29+s5], $0x4000, $0x38;
	[tilespmem:$0x1F780] =	vst v63  }
0xaf: {  	_ =	swait.ge [sflag:s16], $0x4000  }
0xb0: {  	[sflag:s16] =	ssyncset.done $0x0  }
0xb1: {  	[sflag:s16] =	ssyncadd.s32 $0xFFFFC000  }
.LBB2_19:
0xb2: {  	s29 =	ssub.s32 s23, s28  }
0xb3: {  	v14 =	vld [tilespmem:s29+$0x17700];
	_ =	sdelay $0x4  }
0xb4: {  	vm0 =	vlt.s32 v14, v13  }
0xb5: {  	v15 =	vmpcnt.ones.xlane vm0;
	_ =	sdelay $0x1  }
0xb6: {  	v15 =	vxor.u32 $0x80000000, v15  }
0xb7: {  	(xrf0) =	vmax.scan.msk.u32 $0xffff, v15;
	_ =	sdelay $0x5  }
0xb8: {  	v15, _, _ =	vpop (xrf0)  }
0xb9: {  	(v2sf) =	vpush v15, $0xF;
	_ =	sdelay $0x8  }
0xba: {  	v15 =	vld [tilespmem:s29+$0x1B700];
	_ =	sdelay $0x3  }
0xbb: {  	v16 =	vperm.xlane v14, v9  }
0xbc: {  	v17 =	vperm.xlane v15, v9  }
0xbd: {  	vm1 =	veq.s32 v14, v16;
	s31 =	spop (v2sf)  }
0xbe: {  	v60 =	vperm.xlane v14, v10;
	s29 =	sadd.s32 $0x10, s23;
	v15 =	vsel vm1, v17, v15;
	p1 =	seq.s32 s31, $0x80000010  }
0xbf: {  	v17 =	vperm.xlane v15, v10;
	s23 =	smov.u32 @p1 s29  }
0xc0: {  	v61 =	vsub.s32 v14, v12;
	v62 =	vperm.xlane v14, v7;
	vm12 =	veq.s32 v14, v60;
	p2 =	slt.s32 s23, $0xC35000;
	s29 =	ssub.s32 s23, s28  }
0xc1: {  	vm13 =	vge.s32 v14, v12;
	vm2 =	vgt.s32 v61, $0x0;
	v15 =	vsel vm12, v17, v15;
	p1 =	por !p1, !p2;
	s29 =	sadd.s32 $0x10, s29  }
0xc2: {  	vm0 =	vmand vm13, vm0;
	v16 =	vnsel vm2, $0x0, v61;
	v18 =	vperm.xlane v15, v7;
	p1 =	por !p1, !p1;
	p6 =	sgt.s32 s29, $0x4000  }
0xc3: {  	vm14 =	veq.s32 v14, v62;
	v16 =	vmin.u32 v16, $0xBB7F;
	p2 =	por p6, !p1  }
.Ltmp9:
0xc4: {  	v63 =	vperm.xlane v14, v11;
	v15 =	vsel vm14, v18, v15;
	(pc) =	sbr.rel @!p2 .LBB2_19-.Ltmp9, $4  }
0xc5: {  	v18 =	vperm.xlane v15, v11  }
0xc6: {  	vm15 =	veq.s32 v14, v63  }
0xc7: {  	v14 =	vsel vm15, v18, v15  }
0xc8: {  	[tilespmem:v16+s5+$0x0] =	vst.idx.msk vm0, v14  }
.Ltmp10:
0xc9: {  	(pc) =	sbr.rel @p1 .LBB2_18-.Ltmp10, $1  }
0xca: {  	_ =	sdelay $0x3  }
0xcb: {  	s26 =	sshrl.u32 s26, $0x3  }
0xcc: {  	s26 =	sadd.s32 s3, s26  }
0xcd: {  	[hbm4b:s26+s5] =	stream.linear.scatter [tilespmem:s5], [sflag:$0x1], $0xBB80, $0x38;
	[tilespmem:$0x1F780] =	vst v63  }
0xce: {  	_ =	swait.ge [sflag:s21], $0xBB80  }
0xcf: {  	[sflag:s21] =	ssyncset.done $0x0  }
0xd0: {  	s26 =	simm.s32 $0xBBC0;
	[sflag:s21] =	ssyncadd.s32 $0xFFFF4480  }
0xd1: {  	[tilespmem:s26+$0xFFFFFFC0] =	vst v8  }
0xd2: {  	[tilespmem:s26+$0x30] =	vst v8  }
0xd3: {  	[tilespmem:s26+$0x20] =	vst v8  }
0xd4: {  	[tilespmem:s26+$0x10] =	vst v8  }
0xd5: {  	[tilespmem:s26+$0x0] =	vst v8  }
0xd6: {  	[tilespmem:s26+$0xFFFFFFF0] =	vst v8  }
0xd7: {  	s28 =	simm.s32 $0x0;
	[tilespmem:s26+$0xFFFFFFE0] =	vst v8  }
.LBB2_21:
0xd8: {  	s28 =	sadd.s32 $0x8, s28;
	[tilespmem:s26+$0xFFFFFFD0] =	vst v8;
	s26 =	sadd.s32 $0x80, s26  }
0xd9: {  	[tilespmem:s26+$0xFFFFFFC0] =	vst v8;
	p1 =	slt.u32 s28, $0xBB0  }
0xda: {  	[tilespmem:s26+$0x30] =	vst v8  }
.Ltmp11:
0xdb: {  	[tilespmem:s26+$0x20] =	vst v8;
	(pc) =	sbr.rel @p1 .LBB2_21-.Ltmp11, $4  }
0xdc: {  	[tilespmem:s26+$0x10] =	vst v8  }
0xdd: {  	[tilespmem:s26+$0x0] =	vst v8  }
0xde: {  	[tilespmem:s26+$0xFFFFFFF0] =	vst v8  }
0xdf: {  	[tilespmem:s26+$0xFFFFFFE0] =	vst v8  }
0xe0: {  	s25 =	sadd.s32 s25, s4  }
0xe1: {  	s28 =	sadd.s32 $0xBB80, s25  }
0xe2: {  	[tilespmem:s26+$0xFFFFFFD0] =	vst v8;
	v12 =	vmov s25;
	v13 =	vmov s28  }
.LBB2_24:
0xe3: {  	p1 =	slt.s32 s23, $0xC31000;
	s26 =	smov.u32 s23  }
0xe4: {  	s26 =	simm.s32 @!p1 $0xC31000  }
0xe5: {  	s28 =	sshrl.u32 s26, $0x3  }
0xe6: {  	s29 =	sadd.s32 s6, s28  }
0xe7: {  	[tilespmem:s17], [sflag:$0x3] =	stream.linear.gather [hbm4b:s29+s5], $0x4000, $0x38;
	[tilespmem:$0x1F780] =	vst v63  }
0xe8: {  	_ =	swait.ge [sflag:s16], $0x4000  }
0xe9: {  	[sflag:s16] =	ssyncset.done $0x0  }
0xea: {  	s28 =	sadd.s32 s7, s28;
	[sflag:s16] =	ssyncadd.s32 $0xFFFFC000  }
0xeb: {  	[tilespmem:s18], [sflag:$0x3] =	stream.linear.gather [hbm4b:s28+s5], $0x4000, $0x38;
	[tilespmem:$0x1F780] =	vst v63  }
0xec: {  	_ =	swait.ge [sflag:s16], $0x4000  }
0xed: {  	[sflag:s16] =	ssyncset.done $0x0  }
0xee: {  	[sflag:s16] =	ssyncadd.s32 $0xFFFFC000  }
.LBB2_25:
0xef: {  	s28 =	ssub.s32 s23, s26  }
0xf0: {  	v14 =	vld [tilespmem:s28+$0x17700];
	_ =	sdelay $0x4  }
0xf1: {  	vm0 =	vlt.s32 v14, v13  }
0xf2: {  	v15 =	vmpcnt.ones.xlane vm0;
	_ =	sdelay $0x1  }
0xf3: {  	v15 =	vxor.u32 $0x80000000, v15  }
0xf4: {  	(xrf0) =	vmax.scan.msk.u32 $0xffff, v15;
	_ =	sdelay $0x5  }
0xf5: {  	v15, _, _ =	vpop (xrf0)  }
0xf6: {  	(v2sf) =	vpush v15, $0xF;
	_ =	sdelay $0x8  }
0xf7: {  	v15 =	vld [tilespmem:s28+$0x1B700];
	_ =	sdelay $0x3  }
0xf8: {  	v16 =	vperm.xlane v14, v9  }
0xf9: {  	v17 =	vperm.xlane v15, v9  }
0xfa: {  	vm1 =	veq.s32 v14, v16;
	s31 =	spop (v2sf)  }
0xfb: {  	v60 =	vperm.xlane v14, v10;
	s28 =	sadd.s32 $0x10, s23;
	v15 =	vsel vm1, v17, v15;
	p1 =	seq.s32 s31, $0x80000010  }
0xfc: {  	v17 =	vperm.xlane v15, v10;
	s23 =	smov.u32 @p1 s28  }
0xfd: {  	v61 =	vsub.s32 v14, v12;
	v62 =	vperm.xlane v14, v7;
	vm12 =	veq.s32 v14, v60;
	p2 =	slt.s32 s23, $0xC35000;
	s28 =	ssub.s32 s23, s26  }
0xfe: {  	vm13 =	vge.s32 v14, v12;
	vm2 =	vgt.s32 v61, $0x0;
	v15 =	vsel vm12, v17, v15;
	p1 =	por !p1, !p2;
	s28 =	sadd.s32 $0x10, s28  }
0xff: {  	vm0 =	vmand vm13, vm0;
	v16 =	vnsel vm2, $0x0, v61;
	v18 =	vperm.xlane v15, v7;
	p1 =	por !p1, !p1;
	p6 =	sgt.s32 s28, $0x4000  }
0x100: {  	vm14 =	veq.s32 v14, v62;
	v16 =	vmin.u32 v16, $0xBB7F;
	p2 =	por p6, !p1  }
.Ltmp12:
0x101: {  	v63 =	vperm.xlane v14, v11;
	v15 =	vsel vm14, v18, v15;
	(pc) =	sbr.rel @!p2 .LBB2_25-.Ltmp12, $4  }
0x102: {  	v18 =	vperm.xlane v15, v11  }
0x103: {  	vm15 =	veq.s32 v14, v63  }
0x104: {  	v14 =	vsel vm15, v18, v15  }
0x105: {  	[tilespmem:v16+s19+$0x0] =	vst.idx.msk vm0, v14  }
.Ltmp13:
0x106: {  	(pc) =	sbr.rel @p1 .LBB2_24-.Ltmp13, $1  }
0x107: {  	_ =	sdelay $0x3  }
0x108: {  	s24 =	sadd.s32 $0x1, s24  }
0x109: {  	p1 =	sne.s32 s24, $0x10  }
.Ltmp14:
0x10a: {  	_ = 	snop;
	(pc) =	sbr.rel @p1 .LBB2_14-.Ltmp14, $4  }
0x10b: {  	_ = 	snop  }
0x10c: {  	s25 =	sshrl.u32 s25, $0x3  }
0x10d: {  	s25 =	sadd.s32 s3, s25  }
0x10e: {  	[hbm4b:s25+s5] =	stream.linear.scatter [tilespmem:s19], [sflag:$0x2], $0xBB80, $0x38;
	[tilespmem:$0x1F780] =	vst v63  }
0x10f: {  	_ =	swait.ge [sflag:s20], $0xBB80  }
0x110: {  	[sflag:s20] =	ssyncset.done $0x0  }
0x111: {  	s24 =	simm.s32 $0x40;
	[sflag:s20] =	ssyncadd.s32 $0xFFFF4480  }
0x112: {  	[tilespmem:s24+$0xFFFFFFC0] =	vst v8  }
0x113: {  	[tilespmem:s24+$0x30] =	vst v8  }
0x114: {  	[tilespmem:s24+$0x20] =	vst v8  }
0x115: {  	[tilespmem:s24+$0x10] =	vst v8  }
0x116: {  	[tilespmem:s24+$0x0] =	vst v8  }
0x117: {  	[tilespmem:s24+$0xFFFFFFF0] =	vst v8  }
0x118: {  	s25 =	simm.s32 $0x0;
	[tilespmem:s24+$0xFFFFFFE0] =	vst v8  }
.LBB2_28:
0x119: {  	s25 =	sadd.s32 $0x8, s25;
	[tilespmem:s24+$0xFFFFFFD0] =	vst v8;
	s24 =	sadd.s32 $0x80, s24  }
0x11a: {  	[tilespmem:s24+$0xFFFFFFC0] =	vst v8;
	p1 =	slt.u32 s25, $0xBB0  }
0x11b: {  	[tilespmem:s24+$0x30] =	vst v8  }
.Ltmp15:
0x11c: {  	[tilespmem:s24+$0x20] =	vst v8;
	(pc) =	sbr.rel @p1 .LBB2_28-.Ltmp15, $4  }
0x11d: {  	[tilespmem:s24+$0x10] =	vst v8  }
0x11e: {  	[tilespmem:s24+$0x0] =	vst v8  }
0x11f: {  	[tilespmem:s24+$0xFFFFFFF0] =	vst v8  }
0x120: {  	[tilespmem:s24+$0xFFFFFFE0] =	vst v8  }
0x121: {  	[tilespmem:s24+$0xFFFFFFD0] =	vst v8  }
.LBB2_31:
0x122: {  	p1 =	slt.s32 s23, $0xC31000;
	s24 =	smov.u32 s23  }
0x123: {  	s24 =	simm.s32 @!p1 $0xC31000  }
0x124: {  	s25 =	sshrl.u32 s24, $0x3  }
0x125: {  	s26 =	sadd.s32 s6, s25  }
0x126: {  	[tilespmem:s17], [sflag:$0x3] =	stream.linear.gather [hbm4b:s26+s5], $0x4000, $0x38;
	[tilespmem:$0x1F780] =	vst v63  }
0x127: {  	_ =	swait.ge [sflag:s16], $0x4000  }
0x128: {  	[sflag:s16] =	ssyncset.done $0x0  }
0x129: {  	s25 =	sadd.s32 s7, s25;
	[sflag:s16] =	ssyncadd.s32 $0xFFFFC000  }
0x12a: {  	[tilespmem:s18], [sflag:$0x3] =	stream.linear.gather [hbm4b:s25+s5], $0x4000, $0x38;
	[tilespmem:$0x1F780] =	vst v63  }
0x12b: {  	_ =	swait.ge [sflag:s16], $0x4000  }
0x12c: {  	[sflag:s16] =	ssyncset.done $0x0  }
0x12d: {  	[sflag:s16] =	ssyncadd.s32 $0xFFFFC000  }
.LBB2_32:
0x12e: {  	s25 =	ssub.s32 s23, s24  }
0x12f: {  	v12 =	vld [tilespmem:s25+$0x17700];
	_ =	sdelay $0x4  }
0x130: {  	vm0 =	vlt.s32 v12, v4  }
0x131: {  	v13 =	vmpcnt.ones.xlane vm0;
	_ =	sdelay $0x1  }
0x132: {  	v13 =	vxor.u32 $0x80000000, v13  }
0x133: {  	(xrf0) =	vmax.scan.msk.u32 $0xffff, v13;
	_ =	sdelay $0x5  }
0x134: {  	v13, _, _ =	vpop (xrf0)  }
0x135: {  	(v2sf) =	vpush v13, $0xF;
	_ =	sdelay $0x8  }
0x136: {  	v59 =	vld [tilespmem:s25+$0x1B700];
	_ =	sdelay $0x3  }
0x137: {  	v14 =	vperm.xlane v12, v9  }
0x138: {  	v15 =	vperm.xlane v59, v9  }
0x139: {  	vm1 =	veq.s32 v12, v14;
	s31 =	spop (v2sf)  }
0x13a: {  	s25 =	sadd.s32 $0x10, s23;
	v60 =	vperm.xlane v12, v10;
	v13 =	vsel vm1, v15, v59;
	p1 =	seq.s32 s31, $0x80000010  }
0x13b: {  	v15 =	vperm.xlane v13, v10;
	s23 =	smov.u32 @p1 s25  }
0x13c: {  	v61 =	vsub.s32 v12, v3;
	v62 =	vperm.xlane v12, v7;
	vm12 =	veq.s32 v12, v60;
	p2 =	slt.s32 s23, $0xC35000;
	s25 =	ssub.s32 s23, s24  }
0x13d: {  	vm13 =	vge.s32 v12, v3;
	vm2 =	vgt.s32 v61, $0x0;
	v13 =	vsel vm12, v15, v13;
	p1 =	por !p1, !p2;
	s25 =	sadd.s32 $0x10, s25  }
0x13e: {  	vm0 =	vmand vm13, vm0;
	v14 =	vnsel vm2, $0x0, v61;
	v16 =	vperm.xlane v13, v7;
	p1 =	por !p1, !p1;
	p6 =	sgt.s32 s25, $0x4000  }
0x13f: {  	vm14 =	veq.s32 v12, v62;
	v14 =	vmin.u32 v14, $0xBB7F;
	p2 =	por p6, !p1  }
.Ltmp16:
0x140: {  	v63 =	vperm.xlane v12, v11;
	v13 =	vsel vm14, v16, v13;
	(pc) =	sbr.rel @!p2 .LBB2_32-.Ltmp16, $4  }
0x141: {  	v16 =	vperm.xlane v13, v11  }
0x142: {  	vm15 =	veq.s32 v12, v63  }
0x143: {  	v12 =	vsel vm15, v16, v13  }
0x144: {  	[tilespmem:v14+s5+$0x0] =	vst.idx.msk vm0, v12  }
.Ltmp17:
0x145: {  	(pc) =	sbr.rel @p1 .LBB2_31-.Ltmp17, $1  }
0x146: {  	_ =	sdelay $0x3  }
.Ltmp18:
0x147: {  	(pc) =	sbr.rel @!p0 .LBB2_34-.Ltmp18, $4  }
0x148: {  	[hbm4b:s11+s5] =	stream.linear.scatter [tilespmem:s5], [sflag:$0x1], $0xBB80, $0x38;
	[tilespmem:$0x1F780] =	vst v63  }
0x149: {  	_ =	swait.ge [sflag:s21], $0xBB80  }
0x14a: {  	[sflag:s21] =	ssyncset.done $0x0  }
0x14b: {  	s25 =	simm.s32 $0xFFFFFFF8;
	s24 =	simm.s32 $0xBBC0;
	[sflag:s21] =	ssyncadd.s32 $0xFFFF4480  }
0x14c: {  	[tilespmem:s24+$0xFFFFFFC0] =	vst v8  }
0x14d: {  	[tilespmem:s24+$0x30] =	vst v8  }
0x14e: {  	[tilespmem:s24+$0x20] =	vst v8  }
0x14f: {  	[tilespmem:s24+$0x10] =	vst v8  }
0x150: {  	[tilespmem:s24+$0x0] =	vst v8  }
0x151: {  	[tilespmem:s24+$0xFFFFFFF0] =	vst v8  }
0x152: {  	s25 =	sadd.s32 $0x8, s25;
	[tilespmem:s24+$0xFFFFFFE0] =	vst v8  }
.LBB2_42:
0x153: {  	s25 =	sadd.s32 $0x8, s25;
	[tilespmem:s24+$0xFFFFFFD0] =	vst v8;
	s24 =	sadd.s32 $0x80, s24  }
0x154: {  	[tilespmem:s24+$0xFFFFFFC0] =	vst v8;
	p1 =	slt.u32 s25, $0x3C8  }
0x155: {  	[tilespmem:s24+$0x30] =	vst v8  }
.Ltmp19:
0x156: {  	[tilespmem:s24+$0x20] =	vst v8;
	(pc) =	sbr.rel @p1 .LBB2_42-.Ltmp19, $4  }
0x157: {  	[tilespmem:s24+$0x10] =	vst v8  }
0x158: {  	[tilespmem:s24+$0x0] =	vst v8  }
0x159: {  	[tilespmem:s24+$0xFFFFFFF0] =	vst v8  }
0x15a: {  	[tilespmem:s24+$0xFFFFFFE0] =	vst v8  }
0x15b: {  	[tilespmem:s24+$0xFFFFFFD0] =	vst v8  }
0x15c: {  	[tilespmem:$0xF880] =	vst v8  }
0x15d: {  	[tilespmem:$0xF890] =	vst v8  }
0x15e: {  	[tilespmem:$0xF8A0] =	vst v8  }
0x15f: {  	[tilespmem:$0xF8B0] =	vst v8  }
0x160: {  	[tilespmem:$0xF8C0] =	vst v8  }
0x161: {  	[tilespmem:$0xF8D0] =	vst v8  }
0x162: {  	[tilespmem:$0xF8E0] =	vst v8  }
.LBB2_45:
0x163: {  	p1 =	slt.s32 s23, $0xC31000;
	s24 =	smov.u32 s23  }
0x164: {  	s24 =	simm.s32 @!p1 $0xC31000  }
0x165: {  	s25 =	sshrl.u32 s24, $0x3  }
0x166: {  	s26 =	sadd.s32 s6, s25  }
0x167: {  	[tilespmem:s17], [sflag:$0x3] =	stream.linear.gather [hbm4b:s26+s5], $0x4000, $0x38;
	[tilespmem:$0x1F780] =	vst v63  }
0x168: {  	_ =	swait.ge [sflag:s16], $0x4000  }
0x169: {  	[sflag:s16] =	ssyncset.done $0x0  }
0x16a: {  	s25 =	sadd.s32 s7, s25;
	[sflag:s16] =	ssyncadd.s32 $0xFFFFC000  }
0x16b: {  	[tilespmem:s18], [sflag:$0x3] =	stream.linear.gather [hbm4b:s25+s5], $0x4000, $0x38;
	[tilespmem:$0x1F780] =	vst v63  }
0x16c: {  	_ =	swait.ge [sflag:s16], $0x4000  }
0x16d: {  	[sflag:s16] =	ssyncset.done $0x0  }
0x16e: {  	[sflag:s16] =	ssyncadd.s32 $0xFFFFC000  }
.LBB2_46:
0x16f: {  	s25 =	ssub.s32 s23, s24  }
0x170: {  	v12 =	vld [tilespmem:s25+$0x17700];
	_ =	sdelay $0x4  }
0x171: {  	vm0 =	vlt.s32 v12, v6  }
0x172: {  	v13 =	vmpcnt.ones.xlane vm0;
	_ =	sdelay $0x1  }
0x173: {  	v13 =	vxor.u32 $0x80000000, v13  }
0x174: {  	(xrf0) =	vmax.scan.msk.u32 $0xffff, v13;
	_ =	sdelay $0x5  }
0x175: {  	v13, _, _ =	vpop (xrf0)  }
0x176: {  	(v2sf) =	vpush v13, $0xF;
	_ =	sdelay $0x8  }
0x177: {  	v59 =	vld [tilespmem:s25+$0x1B700];
	_ =	sdelay $0x3  }
0x178: {  	v14 =	vperm.xlane v12, v9  }
0x179: {  	v15 =	vperm.xlane v59, v9  }
0x17a: {  	vm1 =	veq.s32 v12, v14;
	s31 =	spop (v2sf)  }
0x17b: {  	s25 =	sadd.s32 $0x10, s23;
	v60 =	vperm.xlane v12, v10;
	v13 =	vsel vm1, v15, v59;
	p1 =	seq.s32 s31, $0x80000010  }
0x17c: {  	v15 =	vperm.xlane v13, v10;
	s23 =	smov.u32 @p1 s25  }
0x17d: {  	v61 =	vsub.s32 v12, v4;
	v62 =	vperm.xlane v12, v7;
	vm12 =	veq.s32 v12, v60;
	p2 =	slt.s32 s23, $0xC35000;
	s25 =	ssub.s32 s23, s24  }
0x17e: {  	vm13 =	vge.s32 v12, v4;
	vm2 =	vgt.s32 v61, $0x0;
	v13 =	vsel vm12, v15, v13;
	p1 =	por !p1, !p2;
	s25 =	sadd.s32 $0x10, s25  }
0x17f: {  	vm0 =	vmand vm13, vm0;
	v14 =	vnsel vm2, $0x0, v61;
	v16 =	vperm.xlane v13, v7;
	p1 =	por !p1, !p1;
	p6 =	sgt.s32 s25, $0x4000  }
0x180: {  	vm14 =	veq.s32 v12, v62;
	v14 =	vmin.u32 v14, $0x3D6F;
	p2 =	por p6, !p1  }
.Ltmp20:
0x181: {  	v63 =	vperm.xlane v12, v11;
	v13 =	vsel vm14, v16, v13;
	(pc) =	sbr.rel @!p2 .LBB2_46-.Ltmp20, $4  }
0x182: {  	v16 =	vperm.xlane v13, v11  }
0x183: {  	vm15 =	veq.s32 v12, v63  }
0x184: {  	v12 =	vsel vm15, v16, v13  }
0x185: {  	[tilespmem:v14+s19+$0x0] =	vst.idx.msk vm0, v12  }
.Ltmp21:
0x186: {  	(pc) =	sbr.rel @p1 .LBB2_45-.Ltmp21, $1  }
0x187: {  	_ =	sdelay $0x3  }
.Ltmp22:
0x188: {  	(pc) =	sbr.rel .LBB2_48-.Ltmp22, $4  }
0x189: {  	[hbm4b:s13+s5] =	stream.linear.scatter [tilespmem:s19], [sflag:$0x2], $0x3D70, $0x38;
	[tilespmem:$0x1F780] =	vst v63  }
0x18a: {  	_ =	swait.ge [sflag:s21], $0x3D70  }
0x18b: {  	[sflag:s21] =	ssyncset.done $0x0  }
0x18c: {  	[sflag:s21] =	ssyncadd.s32 $0xFFFFC290  }
.LBB2_34:
0x18d: {  	[tilespmem:s24+$0xFFFFFFC0] =	vst v8  }
0x18e: {  	[tilespmem:s24+$0x30] =	vst v8  }
0x18f: {  	[tilespmem:s24+$0x20] =	vst v8  }
0x190: {  	[tilespmem:s24+$0x10] =	vst v8  }
0x191: {  	[tilespmem:s24+$0x0] =	vst v8  }
0x192: {  	[tilespmem:s24+$0xFFFFFFF0] =	vst v8  }
0x193: {  	s25 =	sadd.s32 $0x8, s25;
	[tilespmem:s24+$0xFFFFFFE0] =	vst v8  }
.LBB2_35:
0x194: {  	s25 =	sadd.s32 $0x8, s25;
	[tilespmem:s24+$0xFFFFFFD0] =	vst v8;
	s24 =	sadd.s32 $0x80, s24  }
0x195: {  	[tilespmem:s24+$0xFFFFFFC0] =	vst v8;
	p1 =	slt.u32 s25, $0x3D8  }
0x196: {  	[tilespmem:s24+$0x30] =	vst v8  }
.Ltmp23:
0x197: {  	[tilespmem:s24+$0x20] =	vst v8;
	(pc) =	sbr.rel @p1 .LBB2_35-.Ltmp23, $4  }
0x198: {  	[tilespmem:s24+$0x10] =	vst v8  }
0x199: {  	[tilespmem:s24+$0x0] =	vst v8  }
0x19a: {  	[tilespmem:s24+$0xFFFFFFF0] =	vst v8  }
0x19b: {  	[tilespmem:s24+$0xFFFFFFE0] =	vst v8  }
0x19c: {  	[tilespmem:s24+$0xFFFFFFD0] =	vst v8  }
0x19d: {  	[tilespmem:$0xF980] =	vst v8  }
0x19e: {  	[tilespmem:$0xF990] =	vst v8  }
0x19f: {  	[tilespmem:$0xF9A0] =	vst v8  }
0x1a0: {  	[tilespmem:$0xF9B0] =	vst v8  }
0x1a1: {  	[tilespmem:$0xF9C0] =	vst v8  }
0x1a2: {  	[tilespmem:$0xF9D0] =	vst v8  }
0x1a3: {  	[tilespmem:$0xF9E0] =	vst v8  }
.LBB2_38:
0x1a4: {  	p1 =	slt.s32 s23, $0xC31000;
	s24 =	smov.u32 s23  }
0x1a5: {  	s24 =	simm.s32 @!p1 $0xC31000  }
0x1a6: {  	s25 =	sshrl.u32 s24, $0x3  }
0x1a7: {  	s26 =	sadd.s32 s6, s25  }
0x1a8: {  	[tilespmem:s17], [sflag:$0x3] =	stream.linear.gather [hbm4b:s26+s5], $0x4000, $0x38;
	[tilespmem:$0x1F780] =	vst v63  }
0x1a9: {  	_ =	swait.ge [sflag:s16], $0x4000  }
0x1aa: {  	[sflag:s16] =	ssyncset.done $0x0  }
0x1ab: {  	s25 =	sadd.s32 s7, s25;
	[sflag:s16] =	ssyncadd.s32 $0xFFFFC000  }
0x1ac: {  	[tilespmem:s18], [sflag:$0x3] =	stream.linear.gather [hbm4b:s25+s5], $0x4000, $0x38;
	[tilespmem:$0x1F780] =	vst v63  }
0x1ad: {  	_ =	swait.ge [sflag:s16], $0x4000  }
0x1ae: {  	[sflag:s16] =	ssyncset.done $0x0  }
0x1af: {  	[sflag:s16] =	ssyncadd.s32 $0xFFFFC000  }
.LBB2_39:
0x1b0: {  	s25 =	ssub.s32 s23, s24  }
0x1b1: {  	v12 =	vld [tilespmem:s25+$0x17700];
	_ =	sdelay $0x4  }
0x1b2: {  	vm0 =	vlt.s32 v12, v5  }
0x1b3: {  	v13 =	vmpcnt.ones.xlane vm0;
	_ =	sdelay $0x1  }
0x1b4: {  	v13 =	vxor.u32 $0x80000000, v13  }
0x1b5: {  	(xrf0) =	vmax.scan.msk.u32 $0xffff, v13;
	_ =	sdelay $0x5  }
0x1b6: {  	v13, _, _ =	vpop (xrf0)  }
0x1b7: {  	(v2sf) =	vpush v13, $0xF;
	_ =	sdelay $0x8  }
0x1b8: {  	v59 =	vld [tilespmem:s25+$0x1B700];
	_ =	sdelay $0x3  }
0x1b9: {  	v14 =	vperm.xlane v12, v9  }
0x1ba: {  	v15 =	vperm.xlane v59, v9  }
0x1bb: {  	vm1 =	veq.s32 v12, v14;
	s31 =	spop (v2sf)  }
0x1bc: {  	s25 =	sadd.s32 $0x10, s23;
	v60 =	vperm.xlane v12, v10;
	v13 =	vsel vm1, v15, v59;
	p1 =	seq.s32 s31, $0x80000010  }
0x1bd: {  	v15 =	vperm.xlane v13, v10;
	s23 =	smov.u32 @p1 s25  }
0x1be: {  	v61 =	vsub.s32 v12, v4;
	v62 =	vperm.xlane v12, v7;
	vm12 =	veq.s32 v12, v60;
	p2 =	slt.s32 s23, $0xC35000;
	s25 =	ssub.s32 s23, s24  }
0x1bf: {  	vm13 =	vge.s32 v12, v4;
	vm2 =	vgt.s32 v61, $0x0;
	v13 =	vsel vm12, v15, v13;
	p1 =	por !p1, !p2;
	s25 =	sadd.s32 $0x10, s25  }
0x1c0: {  	vm0 =	vmand vm13, vm0;
	v14 =	vnsel vm2, $0x0, v61;
	v16 =	vperm.xlane v13, v7;
	p1 =	por !p1, !p1;
	p6 =	sgt.s32 s25, $0x4000  }
0x1c1: {  	vm14 =	veq.s32 v12, v62;
	v14 =	vmin.u32 v14, $0x3E6F;
	p2 =	por p6, !p1  }
.Ltmp24:
0x1c2: {  	v63 =	vperm.xlane v12, v11;
	v13 =	vsel vm14, v16, v13;
	(pc) =	sbr.rel @!p2 .LBB2_39-.Ltmp24, $4  }
0x1c3: {  	v16 =	vperm.xlane v13, v11  }
0x1c4: {  	vm15 =	veq.s32 v12, v63  }
0x1c5: {  	v12 =	vsel vm15, v16, v13  }
0x1c6: {  	[tilespmem:v14+s19+$0x0] =	vst.idx.msk vm0, v12  }
.Ltmp25:
0x1c7: {  	(pc) =	sbr.rel @p1 .LBB2_38-.Ltmp25, $1  }
0x1c8: {  	_ =	sdelay $0x3  }
.Ltmp26:
0x1c9: {  	(pc) =	sbr.rel .LBB2_48-.Ltmp26, $4  }
0x1ca: {  	[hbm4b:s12+s5] =	stream.linear.scatter [tilespmem:s19], [sflag:$0x2], $0x3E70, $0x38;
	[tilespmem:$0x1F780] =	vst v63  }
0x1cb: {  	_ =	swait.ge [sflag:s21], $0x3E70  }
0x1cc: {  	[sflag:s21] =	ssyncset.done $0x0  }
0x1cd: {  	[sflag:s21] =	ssyncadd.s32 $0xFFFFC190  }
.LBB2_49:
0x1ce: {  	_ =	sfence.sel $0x180000  }
0x1cf: {  	[bflag:$0x0] =	sbarrier.arrive $0xFFFF  }
0x1d0: {  	p0 =	sne.s32 s0, $0x0;
	_ =	strace $0x90000047  }
0x1d1: {  	s0 =	sadd.s32 @!p0 $0x100000, s1;
	[bflag:$0x2] =	sbarrier.arrive $0xFFFF  }
0x1d2: {  	[sflag:s0] =	ssyncadd.tile.s32 @!p0 $0x1;
	_ =	shalt  }
.Lfunc_end2:
_tile_overlayer_lowered:
.L_overlay_start_2:
0x1d3: {  	(tag) =	ssettag $0x2  }
0x1d4: {  	s0 =	rddreg [dreg:$0x0];
	s2 =	stileid.u32  }
0x1d5: {  	s1 =	rddreg [dreg:$0x1];
	p0 =	sne.s32 s2, $0x0  }
0x1d6: {  	s3 =	rddreg [dreg:$0x2];
	[bflag:$0x3] =	sbarrier.arrive $0xFFFF;
	s2 =	simm.s32 @!p0 $0x1C03  }
0x1d7: {  	[timem:s3], [sflag:s2] =	dma.local @!p0 [hbm:s0], s1  }
0x1d8: {  	s0 =	simm.s32 @!p0 $0x3  }
0x1d9: {  	_ =	swait.ge @!p0 [sflag:s0], s1  }
0x1da: {  	s1 =	ssub.s32 @!p0 $0x0, s1;
	[sflag:s0] =	ssyncset.done @!p0 $0x0  }
0x1db: {  	[sflag:s0] =	ssyncadd.s32 @!p0 s1  }
0x1dc: {  	[bflag:$0x3] =	sbarrier.arrive $0xFFFF  }
0x1dd: {  	_ =	shalt  }

</sc_bundles>
